<compile_context>
chip_gen: v7x
topology: tpu7x:2x2x1
jax: 0.10.2.dev20260603
libtpu: 0.0.44.dev20260713+nightly
codegen_flags: <defaults>
</compile_context>

<pallas_src>
import functools

import jax
import jax.numpy as jnp
from jax import lax
from jax.experimental import pallas as pl
from jax.experimental.pallas import tpu as pltpu
from jax.experimental.pallas import tpu_sc as plsc

VOCAB = 1000000
HIDDEN = 128
B, L = 1024, 200
CHUNK = 40
NW = 32
NSLICES = 4
BSL = B // NSLICES
TSL = BSL * L
CPWS = TSL // (CHUNK * NW)
TPWS = CPWS * CHUNK
NBUF = 2
BB = 32


def _sc_body(ids_hbm, word_hbm, raw_hbm, ids_v, rows, gsems, osems):
    wid = lax.axis_index("s") * 2 + lax.axis_index("c")
    tok0 = wid * TPWS

    pltpu.sync_copy(ids_hbm.at[pl.ds(tok0, TPWS)], ids_v)

    for b in range(NBUF - 1):
        pltpu.async_copy(
            word_hbm.at[ids_v.at[pl.ds(b * CHUNK, CHUNK)]], rows[b],
            gsems[b])

    def step(c, b):
        b2 = (b + NBUF - 1) % NBUF

        @pl.when(c + NBUF - 1 < CPWS)
        def _():
            @pl.when(c > 0)
            def _():
                pltpu.make_async_copy(
                    rows[b2], raw_hbm.at[pl.ds(tok0, CHUNK)],
                    osems[b2]).wait()

            nbase = pl.multiple_of((c + NBUF - 1) * CHUNK, CHUNK)
            pltpu.async_copy(
                word_hbm.at[ids_v.at[pl.ds(nbase, CHUNK)]], rows[b2],
                gsems[b2])

        pltpu.make_async_copy(
            word_hbm.at[pl.ds(0, CHUNK)], rows[b], gsems[b]).wait()
        cbase = pl.multiple_of(c * CHUNK, CHUNK)
        pltpu.async_copy(rows[b], raw_hbm.at[pl.ds(tok0 + cbase, CHUNK)],
                         osems[b])

    def ring(i, _):
        c0 = i * NBUF
        for b in range(NBUF):
            step(c0 + b, b)
        return 0

    lax.fori_loop(0, CPWS // NBUF, ring, 0)

    for b in range(NBUF):
        pltpu.make_async_copy(
            rows[b], raw_hbm.at[pl.ds(tok0, CHUNK)], osems[b]).wait()


def _sc_gather(ids_slice, word_emb):
    mesh = plsc.VectorSubcoreMesh(core_axis_name="c", subcore_axis_name="s")

    def body(ids_hbm, word_hbm, raw_hbm, *scr):
        _sc_body(ids_hbm, word_hbm, raw_hbm, scr[0],
                 list(scr[1:1 + NBUF]), list(scr[1 + NBUF:1 + 2 * NBUF]),
                 list(scr[1 + 2 * NBUF:]))

    f = functools.partial(
        pl.kernel,
        out_type=jax.ShapeDtypeStruct((TSL, HIDDEN), jnp.float32),
        mesh=mesh,
        scratch_types=(
            [pltpu.VMEM((TPWS,), jnp.int32)]
            + [pltpu.VMEM((CHUNK, HIDDEN), jnp.float32)] * NBUF
            + [pltpu.SemaphoreType.DMA] * (2 * NBUF)
        ),
    )(body)
    return f(ids_slice, word_emb)


def _tc_body(raw_ref, tt_ref, pos_ref, typ_ref, gamma_ref, beta_ref,
             out_ref):
    x = raw_ref[...]
    ttf = tt_ref[...].astype(jnp.float32)
    pos = pos_ref[...]
    typ0 = typ_ref[0]
    typd = typ_ref[1] - typ0
    x = x + pos[None] + typ0[None, None] + ttf[..., None] * typd[None, None]
    mean = jnp.mean(x, axis=-1, keepdims=True)
    var = jnp.mean(x * x, axis=-1, keepdims=True) - mean * mean
    y = (x - mean) * lax.rsqrt(var + 1e-12)
    out_ref[...] = y * gamma_ref[...][None, None] + beta_ref[...][None, None]


def _tc_ln(raw_slice, tt_slice, pos_emb, type_emb, gamma, beta):
    grid = (BSL // BB,)
    return pl.pallas_call(
        _tc_body,
        grid=grid,
        in_specs=[
            pl.BlockSpec((BB, L, HIDDEN), lambda i: (i, 0, 0)),
            pl.BlockSpec((BB, L), lambda i: (i, 0)),
            pl.BlockSpec((L, HIDDEN), lambda i: (0, 0)),
            pl.BlockSpec((2, HIDDEN), lambda i: (0, 0)),
            pl.BlockSpec((HIDDEN,), lambda i: (0,)),
            pl.BlockSpec((HIDDEN,), lambda i: (0,)),
        ],
        out_specs=pl.BlockSpec((BB, L, HIDDEN), lambda i: (i, 0, 0)),
        out_shape=jax.ShapeDtypeStruct((BSL, L, HIDDEN), jnp.float32),
    )(raw_slice, tt_slice, pos_emb[:L], type_emb, gamma, beta)


@jax.jit
def _embed(input_ids, token_type_ids, word_emb, pos_emb, type_emb, gamma,
           beta):
    ids1 = input_ids.reshape(B * L)
    raws = [
        _sc_gather(lax.dynamic_slice_in_dim(ids1, s * TSL, TSL), word_emb)
        for s in range(NSLICES)
    ]
    outs = [
        _tc_ln(raws[s].reshape(BSL, L, HIDDEN),
               lax.dynamic_slice_in_dim(token_type_ids, s * BSL, BSL),
               pos_emb, type_emb, gamma, beta)
        for s in range(NSLICES)
    ]
    return jnp.concatenate(outs, axis=0)


def kernel(input_ids, token_type_ids, word_emb, pos_emb, type_emb, gamma,
           beta):
    return _embed(input_ids, token_type_ids, word_emb, pos_emb, type_emb,
                  gamma, beta)

# --- scband reference (transcript-rebuilt; emitter-appended) ---
"""Pipeline reference for scband-bert-embeddings-59219009077817 (READ-ONLY COPY).

The authoritative reference and input builder live on the scoring server;
editing this copy changes nothing except your own understanding.
"""

import jax, jax.numpy as jnp
import numpy as np

VOCAB = 1000000
HIDDEN = 128
MAX_POS = 512
B, L = 1024, 200

def setup_inputs(seed: int = 0) -> dict:
    key = jax.random.key(seed)
    k1, k2, k3, k4, k5 = jax.random.split(key, 5)
    input_ids = jax.random.randint(k1, (B, L), 0, VOCAB, dtype=jnp.int32)
    token_type_ids = jax.random.randint(k2, (B, L), 0, 2, dtype=jnp.int32)
    word_emb = jax.random.normal(k3, (VOCAB, HIDDEN), dtype=jnp.float32) * 0.02
    # padding_idx=0: row 0 is zero, matching nn.Embedding(padding_idx=0)
    word_emb = word_emb.at[0].set(0.0)
    pos_emb = jax.random.normal(k4, (MAX_POS, HIDDEN), dtype=jnp.float32) * 0.02
    type_emb = jax.random.normal(k5, (2, HIDDEN), dtype=jnp.float32) * 0.02
    gamma = jnp.ones((HIDDEN,), dtype=jnp.float32)
    beta = jnp.zeros((HIDDEN,), dtype=jnp.float32)
    return {"input_ids": input_ids, "token_type_ids": token_type_ids,
            "word_emb": word_emb, "pos_emb": pos_emb, "type_emb": type_emb,
            "gamma": gamma, "beta": beta}

def _layernorm(x, gamma, beta, eps=1e-12):
    mean = jnp.mean(x, axis=-1, keepdims=True)
    var = jnp.mean((x - mean) ** 2, axis=-1, keepdims=True)
    return (x - mean) / jnp.sqrt(var + eps) * gamma + beta

def reference(input_ids, token_type_ids, word_emb, pos_emb, type_emb, gamma, beta):
    seq_length = input_ids.shape[-1]
    position_ids = jnp.broadcast_to(jnp.arange(seq_length, dtype=jnp.int32), input_ids.shape)
    words_embeddings = jnp.take(word_emb, input_ids, axis=0)
    position_embeddings = jnp.take(pos_emb, position_ids, axis=0)
    token_type_embeddings = jnp.take(type_emb, token_type_ids, axis=0)
    embeddings = words_embeddings + position_embeddings + token_type_embeddings
    embeddings = _layernorm(embeddings, gamma, beta)
    # dropout is identity in eval mode
    return embeddings

if __name__ == "__main__":
    import jax
    _d = setup_inputs()
    print(jax.jit(kernel)(*tuple(_d.values())))

</pallas_src>

<mosaic_0001>
#map = affine_map<(d0, d1) -> (0)>
#map1 = affine_map<(d0, d1) -> (0, 0)>
module attributes {stable_mosaic.version = 14 : i64} {
  func.func @body(%arg0: i32, %arg1: i32, %arg2: memref<51200xi32, #tpu.memory_space<hbm>>, %arg3: memref<1000000x128xf32, #tpu.memory_space<hbm>>, %arg4: memref<51200x128xf32, #tpu.memory_space<hbm>>, %arg5: memref<1600xi32, #tpu.memory_space<vmem>>, %arg6: memref<40x128xf32, #tpu.memory_space<vmem>>, %arg7: memref<40x128xf32, #tpu.memory_space<vmem>>, %arg8: memref<!tpu.dma_semaphore, #tpu.memory_space<semaphore_mem>>, %arg9: memref<!tpu.dma_semaphore, #tpu.memory_space<semaphore_mem>>, %arg10: memref<!tpu.dma_semaphore, #tpu.memory_space<semaphore_mem>>, %arg11: memref<!tpu.dma_semaphore, #tpu.memory_space<semaphore_mem>>) attributes {dimension_semantics = [#tpu.dimension_semantics<core_parallel>, #tpu.dimension_semantics<subcore_parallel>], iteration_bounds = array<i64: 2, 16>, scalar_prefetch = 0 : i64, scratch_operands = 7 : i64, tpu.core_type = #tpu.core_type<sc_vector_subcore>, window_params = [{transform_indices = #map}, {transform_indices = #map1}, {transform_indices = #map1}]} {
    %mul3A = arith.constant 2 : i32
    %mul3A_0 = arith.muli %arg1, %mul3A : i32
    %add3A = arith.addi %mul3A_0, %arg0 : i32
    %mul3A_1 = arith.constant 1600 : i32
    %mul3A_2 = arith.muli %add3A, %mul3A_1 : i32
    "tpu.region"() ({
      %run_scoped3A = tpu.sem_alloc : memref<!tpu.dma_semaphore, #tpu.memory_space<semaphore_mem>>
      %dma_start3A_20 = tpu.memref_slice %arg2[%mul3A_2] : memref<51200xi32, #tpu.memory_space<hbm>> -> memref<1600xi32, #tpu.memory_space<hbm>>
      %dma_start3A_21 = tpu.memref_slice %arg2[%mul3A_2] : memref<51200xi32, #tpu.memory_space<hbm>> -> memref<1600xi32, #tpu.memory_space<hbm>>
      tpu.enqueue_dma source(%dma_start3A_21 : memref<1600xi32, #tpu.memory_space<hbm>>) target(%arg5 : memref<1600xi32, #tpu.memory_space<vmem>>) target_semaphore(%run_scoped3A : memref<!tpu.dma_semaphore, #tpu.memory_space<semaphore_mem>>)
      %dma_wait3A_22 = tpu.memref_slice %arg2[%mul3A_2] : memref<51200xi32, #tpu.memory_space<hbm>> -> memref<1600xi32, #tpu.memory_space<hbm>>
      %dma_wait3A_23 = tpu.memref_slice %arg2[%mul3A_2] : memref<51200xi32, #tpu.memory_space<hbm>> -> memref<1600xi32, #tpu.memory_space<hbm>>
      tpu.wait_dma2 semaphore(%run_scoped3A : memref<!tpu.dma_semaphore, #tpu.memory_space<semaphore_mem>>) src(%dma_wait3A_23 : memref<1600xi32, #tpu.memory_space<hbm>>) dst(%arg5 : memref<1600xi32, #tpu.memory_space<vmem>>)
      tpu.yield
    }) : () -> ()
    %dma_start3A = arith.constant 0 : i32
    %dma_start3A_3 = tpu.memref_slice %arg5[%dma_start3A] : memref<1600xi32, #tpu.memory_space<vmem>> -> memref<40xi32, #tpu.memory_space<vmem>>
    %dma_start3A_4 = arith.constant 0 : i32
    %dma_start3A_5 = arith.constant 0 : i32
    %dma_start3A_6 = tpu.memref_slice %arg3[%dma_start3A_4, %dma_start3A_5] : memref<1000000x128xf32, #tpu.memory_space<hbm>> -> memref<1000000x128xf32, #tpu.memory_space<hbm>>
    tpu.enqueue_indirect_dma source(%dma_start3A_6 : memref<1000000x128xf32, #tpu.memory_space<hbm>>) target(%arg6 : memref<40x128xf32, #tpu.memory_space<vmem>>) offsets(%dma_start3A_3 : memref<40xi32, #tpu.memory_space<vmem>>) semaphore(%arg8 : memref<!tpu.dma_semaphore, #tpu.memory_space<semaphore_mem>>)
    %scan3A = arith.constant 0 : i32
    %scan3A_7 = arith.constant 0 : i32
    %scan3A_8 = arith.constant 20 : i32
    %scan3A_9 = arith.addi %scan3A_7, %scan3A_8 : i32
    %scan3A_10 = arith.constant 1 : i32
    %scan3A_11 = scf.for %scan3A_20 = %scan3A_7 to %scan3A_9 step %scan3A_10 iter_args(%scan3A_21 = %scan3A) -> (i32)  : i32 {
      %mul3A_22 = arith.constant 2 : i32
      %mul3A_23 = arith.muli %scan3A_20, %mul3A_22 : i32
      %add3A_24 = arith.constant 0 : i32
      %add3A_25 = arith.addi %mul3A_23, %add3A_24 : i32
      %add3A_26 = arith.constant 2 : i32
      %add3A_27 = arith.addi %add3A_25, %add3A_26 : i32
      %sub3A = arith.constant 1 : i32
      %sub3A_28 = arith.subi %add3A_27, %sub3A : i32
      %lt3A = arith.constant 40 : i32
      %lt3A_29 = arith.cmpi slt, %sub3A_28, %lt3A : i32
      %convert_element_type3A = arith.extui %lt3A_29 : i1 to i32
      %cond3A = arith.constant 0 : i32
      %cond3A_30 = arith.cmpi ne, %convert_element_type3A, %cond3A : i32
      scf.if %cond3A_30 {
        %gt3A = arith.constant 0 : i32
        %gt3A_70 = arith.cmpi sgt, %add3A_25, %gt3A : i32
        %convert_element_type3A_71 = arith.extui %gt3A_70 : i1 to i32
        %cond3A_72 = arith.constant 0 : i32
        %cond3A_73 = arith.cmpi ne, %convert_element_type3A_71, %cond3A_72 : i32
        scf.if %cond3A_73 {
          %dma_wait3A_85 = arith.constant 0 : i32
          %dma_wait3A_86 = tpu.memref_slice %arg4[%mul3A_2, %dma_wait3A_85] : memref<51200x128xf32, #tpu.memory_space<hbm>> -> memref<40x128xf32, #tpu.memory_space<hbm>>
          %dma_wait3A_87 = arith.constant 0 : i32
          %dma_wait3A_88 = tpu.memref_slice %arg4[%mul3A_2, %dma_wait3A_87] : memref<51200x128xf32, #tpu.memory_space<hbm>> -> memref<40x128xf32, #tpu.memory_space<hbm>>
          tpu.wait_dma2 semaphore(%arg11 : memref<!tpu.dma_semaphore, #tpu.memory_space<semaphore_mem>>) src(%arg7 : memref<40x128xf32, #tpu.memory_space<vmem>>) dst(%dma_wait3A_88 : memref<40x128xf32, #tpu.memory_space<hbm>>)
        } else {
        }
        %add3A_74 = arith.constant 2 : i32
        %add3A_75 = arith.addi %add3A_25, %add3A_74 : i32
        %sub3A_76 = arith.constant 1 : i32
        %sub3A_77 = arith.subi %add3A_75, %sub3A_76 : i32
        %mul3A_78 = arith.constant 40 : i32
        %mul3A_79 = arith.muli %sub3A_77, %mul3A_78 : i32
        %multiple_of3A_80 = tpu.assume_multiple %mul3A_79, 40 : i32
        %dma_start3A_81 = tpu.memref_slice %arg5[%multiple_of3A_80] : memref<1600xi32, #tpu.memory_space<vmem>> -> memref<40xi32, #tpu.memory_space<vmem>>
        %dma_start3A_82 = arith.constant 0 : i32
        %dma_start3A_83 = arith.constant 0 : i32
        %dma_start3A_84 = tpu.memref_slice %arg3[%dma_start3A_82, %dma_start3A_83] : memref<1000000x128xf32, #tpu.memory_space<hbm>> -> memref<1000000x128xf32, #tpu.memory_space<hbm>>
        tpu.enqueue_indirect_dma source(%dma_start3A_84 : memref<1000000x128xf32, #tpu.memory_space<hbm>>) target(%arg7 : memref<40x128xf32, #tpu.memory_space<vmem>>) offsets(%dma_start3A_81 : memref<40xi32, #tpu.memory_space<vmem>>) semaphore(%arg9 : memref<!tpu.dma_semaphore, #tpu.memory_space<semaphore_mem>>)
      } else {
      }
      %dma_wait3A_31 = arith.constant 0 : i32
      %dma_wait3A_32 = arith.constant 0 : i32
      %dma_wait3A_33 = tpu.memref_slice %arg3[%dma_wait3A_31, %dma_wait3A_32] : memref<1000000x128xf32, #tpu.memory_space<hbm>> -> memref<40x128xf32, #tpu.memory_space<hbm>>
      %dma_wait3A_34 = arith.constant 0 : i32
      %dma_wait3A_35 = arith.constant 0 : i32
      %dma_wait3A_36 = tpu.memref_slice %arg3[%dma_wait3A_34, %dma_wait3A_35] : memref<1000000x128xf32, #tpu.memory_space<hbm>> -> memref<40x128xf32, #tpu.memory_space<hbm>>
      tpu.wait_dma2 semaphore(%arg8 : memref<!tpu.dma_semaphore, #tpu.memory_space<semaphore_mem>>) src(%dma_wait3A_36 : memref<40x128xf32, #tpu.memory_space<hbm>>) dst(%arg6 : memref<40x128xf32, #tpu.memory_space<vmem>>)
      %mul3A_37 = arith.constant 40 : i32
      %mul3A_38 = arith.muli %add3A_25, %mul3A_37 : i32
      %multiple_of3A = tpu.assume_multiple %mul3A_38, 40 : i32
      %add3A_39 = arith.addi %mul3A_2, %multiple_of3A : i32
      %dma_start3A_40 = arith.constant 0 : i32
      %dma_start3A_41 = tpu.memref_slice %arg4[%add3A_39, %dma_start3A_40] : memref<51200x128xf32, #tpu.memory_space<hbm>> -> memref<40x128xf32, #tpu.memory_space<hbm>>
      %dma_start3A_42 = arith.constant 0 : i32
      %dma_start3A_43 = tpu.memref_slice %arg4[%add3A_39, %dma_start3A_42] : memref<51200x128xf32, #tpu.memory_space<hbm>> -> memref<40x128xf32, #tpu.memory_space<hbm>>
      tpu.enqueue_dma source(%arg6 : memref<40x128xf32, #tpu.memory_space<vmem>>) target(%dma_start3A_43 : memref<40x128xf32, #tpu.memory_space<hbm>>) target_semaphore(%arg10 : memref<!tpu.dma_semaphore, #tpu.memory_space<semaphore_mem>>)
      %add3A_44 = arith.constant 1 : i32
      %add3A_45 = arith.addi %mul3A_23, %add3A_44 : i32
      %add3A_46 = arith.constant 2 : i32
      %add3A_47 = arith.addi %add3A_45, %add3A_46 : i32
      %sub3A_48 = arith.constant 1 : i32
      %sub3A_49 = arith.subi %add3A_47, %sub3A_48 : i32
      %lt3A_50 = arith.constant 40 : i32
      %lt3A_51 = arith.cmpi slt, %sub3A_49, %lt3A_50 : i32
      %convert_element_type3A_52 = arith.extui %lt3A_51 : i1 to i32
      %cond3A_53 = arith.constant 0 : i32
      %cond3A_54 = arith.cmpi ne, %convert_element_type3A_52, %cond3A_53 : i32
      scf.if %cond3A_54 {
        %gt3A = arith.constant 0 : i32
        %gt3A_70 = arith.cmpi sgt, %add3A_45, %gt3A : i32
        %convert_element_type3A_71 = arith.extui %gt3A_70 : i1 to i32
        %cond3A_72 = arith.constant 0 : i32
        %cond3A_73 = arith.cmpi ne, %convert_element_type3A_71, %cond3A_72 : i32
        scf.if %cond3A_73 {
          %dma_wait3A_85 = arith.constant 0 : i32
          %dma_wait3A_86 = tpu.memref_slice %arg4[%mul3A_2, %dma_wait3A_85] : memref<51200x128xf32, #tpu.memory_space<hbm>> -> memref<40x128xf32, #tpu.memory_space<hbm>>
          %dma_wait3A_87 = arith.constant 0 : i32
          %dma_wait3A_88 = tpu.memref_slice %arg4[%mul3A_2, %dma_wait3A_87] : memref<51200x128xf32, #tpu.memory_space<hbm>> -> memref<40x128xf32, #tpu.memory_space<hbm>>
          tpu.wait_dma2 semaphore(%arg10 : memref<!tpu.dma_semaphore, #tpu.memory_space<semaphore_mem>>) src(%arg6 : memref<40x128xf32, #tpu.memory_space<vmem>>) dst(%dma_wait3A_88 : memref<40x128xf32, #tpu.memory_space<hbm>>)
        } else {
        }
        %add3A_74 = arith.constant 2 : i32
        %add3A_75 = arith.addi %add3A_45, %add3A_74 : i32
        %sub3A_76 = arith.constant 1 : i32
        %sub3A_77 = arith.subi %add3A_75, %sub3A_76 : i32
        %mul3A_78 = arith.constant 40 : i32
        %mul3A_79 = arith.muli %sub3A_77, %mul3A_78 : i32
        %multiple_of3A_80 = tpu.assume_multiple %mul3A_79, 40 : i32
        %dma_start3A_81 = tpu.memref_slice %arg5[%multiple_of3A_80] : memref<1600xi32, #tpu.memory_space<vmem>> -> memref<40xi32, #tpu.memory_space<vmem>>
        %dma_start3A_82 = arith.constant 0 : i32
        %dma_start3A_83 = arith.constant 0 : i32
        %dma_start3A_84 = tpu.memref_slice %arg3[%dma_start3A_82, %dma_start3A_83] : memref<1000000x128xf32, #tpu.memory_space<hbm>> -> memref<1000000x128xf32, #tpu.memory_space<hbm>>
        tpu.enqueue_indirect_dma source(%dma_start3A_84 : memref<1000000x128xf32, #tpu.memory_space<hbm>>) target(%arg6 : memref<40x128xf32, #tpu.memory_space<vmem>>) offsets(%dma_start3A_81 : memref<40xi32, #tpu.memory_space<vmem>>) semaphore(%arg8 : memref<!tpu.dma_semaphore, #tpu.memory_space<semaphore_mem>>)
      } else {
      }
      %dma_wait3A_55 = arith.constant 0 : i32
      %dma_wait3A_56 = arith.constant 0 : i32
      %dma_wait3A_57 = tpu.memref_slice %arg3[%dma_wait3A_55, %dma_wait3A_56] : memref<1000000x128xf32, #tpu.memory_space<hbm>> -> memref<40x128xf32, #tpu.memory_space<hbm>>
      %dma_wait3A_58 = arith.constant 0 : i32
      %dma_wait3A_59 = arith.constant 0 : i32
      %dma_wait3A_60 = tpu.memref_slice %arg3[%dma_wait3A_58, %dma_wait3A_59] : memref<1000000x128xf32, #tpu.memory_space<hbm>> -> memref<40x128xf32, #tpu.memory_space<hbm>>
      tpu.wait_dma2 semaphore(%arg9 : memref<!tpu.dma_semaphore, #tpu.memory_space<semaphore_mem>>) src(%dma_wait3A_60 : memref<40x128xf32, #tpu.memory_space<hbm>>) dst(%arg7 : memref<40x128xf32, #tpu.memory_space<vmem>>)
      %mul3A_61 = arith.constant 40 : i32
      %mul3A_62 = arith.muli %add3A_45, %mul3A_61 : i32
      %multiple_of3A_63 = tpu.assume_multiple %mul3A_62, 40 : i32
      %add3A_64 = arith.addi %mul3A_2, %multiple_of3A_63 : i32
      %dma_start3A_65 = arith.constant 0 : i32
      %dma_start3A_66 = tpu.memref_slice %arg4[%add3A_64, %dma_start3A_65] : memref<51200x128xf32, #tpu.memory_space<hbm>> -> memref<40x128xf32, #tpu.memory_space<hbm>>
      %dma_start3A_67 = arith.constant 0 : i32
      %dma_start3A_68 = tpu.memref_slice %arg4[%add3A_64, %dma_start3A_67] : memref<51200x128xf32, #tpu.memory_space<hbm>> -> memref<40x128xf32, #tpu.memory_space<hbm>>
      tpu.enqueue_dma source(%arg7 : memref<40x128xf32, #tpu.memory_space<vmem>>) target(%dma_start3A_68 : memref<40x128xf32, #tpu.memory_space<hbm>>) target_semaphore(%arg11 : memref<!tpu.dma_semaphore, #tpu.memory_space<semaphore_mem>>)
      %scan3A_69 = arith.constant 0 : i32
      scf.yield %scan3A_69 : i32
    }
    %scan3A_12 = arith.constant 20 : i32
    %dma_wait3A = arith.constant 0 : i32
    %dma_wait3A_13 = tpu.memref_slice %arg4[%mul3A_2, %dma_wait3A] : memref<51200x128xf32, #tpu.memory_space<hbm>> -> memref<40x128xf32, #tpu.memory_space<hbm>>
    %dma_wait3A_14 = arith.constant 0 : i32
    %dma_wait3A_15 = tpu.memref_slice %arg4[%mul3A_2, %dma_wait3A_14] : memref<51200x128xf32, #tpu.memory_space<hbm>> -> memref<40x128xf32, #tpu.memory_space<hbm>>
    tpu.wait_dma2 semaphore(%arg10 : memref<!tpu.dma_semaphore, #tpu.memory_space<semaphore_mem>>) src(%arg6 : memref<40x128xf32, #tpu.memory_space<vmem>>) dst(%dma_wait3A_15 : memref<40x128xf32, #tpu.memory_space<hbm>>)
    %dma_wait3A_16 = arith.constant 0 : i32
    %dma_wait3A_17 = tpu.memref_slice %arg4[%mul3A_2, %dma_wait3A_16] : memref<51200x128xf32, #tpu.memory_space<hbm>> -> memref<40x128xf32, #tpu.memory_space<hbm>>
    %dma_wait3A_18 = arith.constant 0 : i32
    %dma_wait3A_19 = tpu.memref_slice %arg4[%mul3A_2, %dma_wait3A_18] : memref<51200x128xf32, #tpu.memory_space<hbm>> -> memref<40x128xf32, #tpu.memory_space<hbm>>
    tpu.wait_dma2 semaphore(%arg11 : memref<!tpu.dma_semaphore, #tpu.memory_space<semaphore_mem>>) src(%arg7 : memref<40x128xf32, #tpu.memory_space<vmem>>) dst(%dma_wait3A_19 : memref<40x128xf32, #tpu.memory_space<hbm>>)
    return
  }
}

#map = affine_map<(d0, d1) -> (0)>
#map1 = affine_map<(d0, d1) -> (0, 0)>
module attributes {stable_mosaic.version = 14 : i64} {
  func.func @body(%arg0: i32, %arg1: i32, %arg2: memref<51200xi32, #tpu.memory_space<hbm>>, %arg3: memref<1000000x128xf32, #tpu.memory_space<hbm>>, %arg4: memref<51200x128xf32, #tpu.memory_space<hbm>>, %arg5: memref<1600xi32, #tpu.memory_space<vmem>>, %arg6: memref<40x128xf32, #tpu.memory_space<vmem>>, %arg7: memref<40x128xf32, #tpu.memory_space<vmem>>, %arg8: memref<!tpu.dma_semaphore, #tpu.memory_space<semaphore_mem>>, %arg9: memref<!tpu.dma_semaphore, #tpu.memory_space<semaphore_mem>>, %arg10: memref<!tpu.dma_semaphore, #tpu.memory_space<semaphore_mem>>, %arg11: memref<!tpu.dma_semaphore, #tpu.memory_space<semaphore_mem>>) attributes {dimension_semantics = [#tpu.dimension_semantics<core_parallel>, #tpu.dimension_semantics<subcore_parallel>], iteration_bounds = array<i64: 2, 16>, scalar_prefetch = 0 : i64, scratch_operands = 7 : i64, tpu.core_type = #tpu.core_type<sc_vector_subcore>, window_params = [{transform_indices = #map}, {transform_indices = #map1}, {transform_indices = #map1}]} {
    %mul3A = arith.constant 2 : i32
    %mul3A_0 = arith.muli %arg1, %mul3A : i32
    %add3A = arith.addi %mul3A_0, %arg0 : i32
    %mul3A_1 = arith.constant 1600 : i32
    %mul3A_2 = arith.muli %add3A, %mul3A_1 : i32
    "tpu.region"() ({
      %run_scoped3A = tpu.sem_alloc : memref<!tpu.dma_semaphore, #tpu.memory_space<semaphore_mem>>
      %dma_start3A_20 = tpu.memref_slice %arg2[%mul3A_2] : memref<51200xi32, #tpu.memory_space<hbm>> -> memref<1600xi32, #tpu.memory_space<hbm>>
      %dma_start3A_21 = tpu.memref_slice %arg2[%mul3A_2] : memref<51200xi32, #tpu.memory_space<hbm>> -> memref<1600xi32, #tpu.memory_space<hbm>>
      tpu.enqueue_dma source(%dma_start3A_21 : memref<1600xi32, #tpu.memory_space<hbm>>) target(%arg5 : memref<1600xi32, #tpu.memory_space<vmem>>) target_semaphore(%run_scoped3A : memref<!tpu.dma_semaphore, #tpu.memory_space<semaphore_mem>>)
      %dma_wait3A_22 = tpu.memref_slice %arg2[%mul3A_2] : memref<51200xi32, #tpu.memory_space<hbm>> -> memref<1600xi32, #tpu.memory_space<hbm>>
      %dma_wait3A_23 = tpu.memref_slice %arg2[%mul3A_2] : memref<51200xi32, #tpu.memory_space<hbm>> -> memref<1600xi32, #tpu.memory_space<hbm>>
      tpu.wait_dma2 semaphore(%run_scoped3A : memref<!tpu.dma_semaphore, #tpu.memory_space<semaphore_mem>>) src(%dma_wait3A_23 : memref<1600xi32, #tpu.memory_space<hbm>>) dst(%arg5 : memref<1600xi32, #tpu.memory_space<vmem>>)
      tpu.yield
    }) : () -> ()
    %dma_start3A = arith.constant 0 : i32
    %dma_start3A_3 = tpu.memref_slice %arg5[%dma_start3A] : memref<1600xi32, #tpu.memory_space<vmem>> -> memref<40xi32, #tpu.memory_space<vmem>>
    %dma_start3A_4 = arith.constant 0 : i32
    %dma_start3A_5 = arith.constant 0 : i32
    %dma_start3A_6 = tpu.memref_slice %arg3[%dma_start3A_4, %dma_start3A_5] : memref<1000000x128xf32, #tpu.memory_space<hbm>> -> memref<1000000x128xf32, #tpu.memory_space<hbm>>
    tpu.enqueue_indirect_dma source(%dma_start3A_6 : memref<1000000x128xf32, #tpu.memory_space<hbm>>) target(%arg6 : memref<40x128xf32, #tpu.memory_space<vmem>>) offsets(%dma_start3A_3 : memref<40xi32, #tpu.memory_space<vmem>>) semaphore(%arg8 : memref<!tpu.dma_semaphore, #tpu.memory_space<semaphore_mem>>)
    %scan3A = arith.constant 0 : i32
    %scan3A_7 = arith.constant 0 : i32
    %scan3A_8 = arith.constant 20 : i32
    %scan3A_9 = arith.addi %scan3A_7, %scan3A_8 : i32
    %scan3A_10 = arith.constant 1 : i32
    %scan3A_11 = scf.for %scan3A_20 = %scan3A_7 to %scan3A_9 step %scan3A_10 iter_args(%scan3A_21 = %scan3A) -> (i32)  : i32 {
      %mul3A_22 = arith.constant 2 : i32
      %mul3A_23 = arith.muli %scan3A_20, %mul3A_22 : i32
      %add3A_24 = arith.constant 0 : i32
      %add3A_25 = arith.addi %mul3A_23, %add3A_24 : i32
      %add3A_26 = arith.constant 2 : i32
      %add3A_27 = arith.addi %add3A_25, %add3A_26 : i32
      %sub3A = arith.constant 1 : i32
      %sub3A_28 = arith.subi %add3A_27, %sub3A : i32
      %lt3A = arith.constant 40 : i32
      %lt3A_29 = arith.cmpi slt, %sub3A_28, %lt3A : i32
      %convert_element_type3A = arith.extui %lt3A_29 : i1 to i32
      %cond3A = arith.constant 0 : i32
      %cond3A_30 = arith.cmpi ne, %convert_element_type3A, %cond3A : i32
      scf.if %cond3A_30 {
        %gt3A = arith.constant 0 : i32
        %gt3A_70 = arith.cmpi sgt, %add3A_25, %gt3A : i32
        %convert_element_type3A_71 = arith.extui %gt3A_70 : i1 to i32
        %cond3A_72 = arith.constant 0 : i32
        %cond3A_73 = arith.cmpi ne, %convert_element_type3A_71, %cond3A_72 : i32
        scf.if %cond3A_73 {
          %dma_wait3A_85 = arith.constant 0 : i32
          %dma_wait3A_86 = tpu.memref_slice %arg4[%mul3A_2, %dma_wait3A_85] : memref<51200x128xf32, #tpu.memory_space<hbm>> -> memref<40x128xf32, #tpu.memory_space<hbm>>
          %dma_wait3A_87 = arith.constant 0 : i32
          %dma_wait3A_88 = tpu.memref_slice %arg4[%mul3A_2, %dma_wait3A_87] : memref<51200x128xf32, #tpu.memory_space<hbm>> -> memref<40x128xf32, #tpu.memory_space<hbm>>
          tpu.wait_dma2 semaphore(%arg11 : memref<!tpu.dma_semaphore, #tpu.memory_space<semaphore_mem>>) src(%arg7 : memref<40x128xf32, #tpu.memory_space<vmem>>) dst(%dma_wait3A_88 : memref<40x128xf32, #tpu.memory_space<hbm>>)
        } else {
        }
        %add3A_74 = arith.constant 2 : i32
        %add3A_75 = arith.addi %add3A_25, %add3A_74 : i32
        %sub3A_76 = arith.constant 1 : i32
        %sub3A_77 = arith.subi %add3A_75, %sub3A_76 : i32
        %mul3A_78 = arith.constant 40 : i32
        %mul3A_79 = arith.muli %sub3A_77, %mul3A_78 : i32
        %multiple_of3A_80 = tpu.assume_multiple %mul3A_79, 40 : i32
        %dma_start3A_81 = tpu.memref_slice %arg5[%multiple_of3A_80] : memref<1600xi32, #tpu.memory_space<vmem>> -> memref<40xi32, #tpu.memory_space<vmem>>
        %dma_start3A_82 = arith.constant 0 : i32
        %dma_start3A_83 = arith.constant 0 : i32
        %dma_start3A_84 = tpu.memref_slice %arg3[%dma_start3A_82, %dma_start3A_83] : memref<1000000x128xf32, #tpu.memory_space<hbm>> -> memref<1000000x128xf32, #tpu.memory_space<hbm>>
        tpu.enqueue_indirect_dma source(%dma_start3A_84 : memref<1000000x128xf32, #tpu.memory_space<hbm>>) target(%arg7 : memref<40x128xf32, #tpu.memory_space<vmem>>) offsets(%dma_start3A_81 : memref<40xi32, #tpu.memory_space<vmem>>) semaphore(%arg9 : memref<!tpu.dma_semaphore, #tpu.memory_space<semaphore_mem>>)
      } else {
      }
      %dma_wait3A_31 = arith.constant 0 : i32
      %dma_wait3A_32 = arith.constant 0 : i32
      %dma_wait3A_33 = tpu.memref_slice %arg3[%dma_wait3A_31, %dma_wait3A_32] : memref<1000000x128xf32, #tpu.memory_space<hbm>> -> memref<40x128xf32, #tpu.memory_space<hbm>>
      %dma_wait3A_34 = arith.constant 0 : i32
      %dma_wait3A_35 = arith.constant 0 : i32
      %dma_wait3A_36 = tpu.memref_slice %arg3[%dma_wait3A_34, %dma_wait3A_35] : memref<1000000x128xf32, #tpu.memory_space<hbm>> -> memref<40x128xf32, #tpu.memory_space<hbm>>
      tpu.wait_dma2 semaphore(%arg8 : memref<!tpu.dma_semaphore, #tpu.memory_space<semaphore_mem>>) src(%dma_wait3A_36 : memref<40x128xf32, #tpu.memory_space<hbm>>) dst(%arg6 : memref<40x128xf32, #tpu.memory_space<vmem>>)
      %mul3A_37 = arith.constant 40 : i32
      %mul3A_38 = arith.muli %add3A_25, %mul3A_37 : i32
      %multiple_of3A = tpu.assume_multiple %mul3A_38, 40 : i32
      %add3A_39 = arith.addi %mul3A_2, %multiple_of3A : i32
      %dma_start3A_40 = arith.constant 0 : i32
      %dma_start3A_41 = tpu.memref_slice %arg4[%add3A_39, %dma_start3A_40] : memref<51200x128xf32, #tpu.memory_space<hbm>> -> memref<40x128xf32, #tpu.memory_space<hbm>>
      %dma_start3A_42 = arith.constant 0 : i32
      %dma_start3A_43 = tpu.memref_slice %arg4[%add3A_39, %dma_start3A_42] : memref<51200x128xf32, #tpu.memory_space<hbm>> -> memref<40x128xf32, #tpu.memory_space<hbm>>
      tpu.enqueue_dma source(%arg6 : memref<40x128xf32, #tpu.memory_space<vmem>>) target(%dma_start3A_43 : memref<40x128xf32, #tpu.memory_space<hbm>>) target_semaphore(%arg10 : memref<!tpu.dma_semaphore, #tpu.memory_space<semaphore_mem>>)
      %add3A_44 = arith.constant 1 : i32
      %add3A_45 = arith.addi %mul3A_23, %add3A_44 : i32
      %add3A_46 = arith.constant 2 : i32
      %add3A_47 = arith.addi %add3A_45, %add3A_46 : i32
      %sub3A_48 = arith.constant 1 : i32
      %sub3A_49 = arith.subi %add3A_47, %sub3A_48 : i32
      %lt3A_50 = arith.constant 40 : i32
      %lt3A_51 = arith.cmpi slt, %sub3A_49, %lt3A_50 : i32
      %convert_element_type3A_52 = arith.extui %lt3A_51 : i1 to i32
      %cond3A_53 = arith.constant 0 : i32
      %cond3A_54 = arith.cmpi ne, %convert_element_type3A_52, %cond3A_53 : i32
      scf.if %cond3A_54 {
        %gt3A = arith.constant 0 : i32
        %gt3A_70 = arith.cmpi sgt, %add3A_45, %gt3A : i32
        %convert_element_type3A_71 = arith.extui %gt3A_70 : i1 to i32
        %cond3A_72 = arith.constant 0 : i32
        %cond3A_73 = arith.cmpi ne, %convert_element_type3A_71, %cond3A_72 : i32
        scf.if %cond3A_73 {
          %dma_wait3A_85 = arith.constant 0 : i32
          %dma_wait3A_86 = tpu.memref_slice %arg4[%mul3A_2, %dma_wait3A_85] : memref<51200x128xf32, #tpu.memory_space<hbm>> -> memref<40x128xf32, #tpu.memory_space<hbm>>
          %dma_wait3A_87 = arith.constant 0 : i32
          %dma_wait3A_88 = tpu.memref_slice %arg4[%mul3A_2, %dma_wait3A_87] : memref<51200x128xf32, #tpu.memory_space<hbm>> -> memref<40x128xf32, #tpu.memory_space<hbm>>
          tpu.wait_dma2 semaphore(%arg10 : memref<!tpu.dma_semaphore, #tpu.memory_space<semaphore_mem>>) src(%arg6 : memref<40x128xf32, #tpu.memory_space<vmem>>) dst(%dma_wait3A_88 : memref<40x128xf32, #tpu.memory_space<hbm>>)
        } else {
        }
        %add3A_74 = arith.constant 2 : i32
        %add3A_75 = arith.addi %add3A_45, %add3A_74 : i32
        %sub3A_76 = arith.constant 1 : i32
        %sub3A_77 = arith.subi %add3A_75, %sub3A_76 : i32
        %mul3A_78 = arith.constant 40 : i32
        %mul3A_79 = arith.muli %sub3A_77, %mul3A_78 : i32
        %multiple_of3A_80 = tpu.assume_multiple %mul3A_79, 40 : i32
        %dma_start3A_81 = tpu.memref_slice %arg5[%multiple_of3A_80] : memref<1600xi32, #tpu.memory_space<vmem>> -> memref<40xi32, #tpu.memory_space<vmem>>
        %dma_start3A_82 = arith.constant 0 : i32
        %dma_start3A_83 = arith.constant 0 : i32
        %dma_start3A_84 = tpu.memref_slice %arg3[%dma_start3A_82, %dma_start3A_83] : memref<1000000x128xf32, #tpu.memory_space<hbm>> -> memref<1000000x128xf32, #tpu.memory_space<hbm>>
        tpu.enqueue_indirect_dma source(%dma_start3A_84 : memref<1000000x128xf32, #tpu.memory_space<hbm>>) target(%arg6 : memref<40x128xf32, #tpu.memory_space<vmem>>) offsets(%dma_start3A_81 : memref<40xi32, #tpu.memory_space<vmem>>) semaphore(%arg8 : memref<!tpu.dma_semaphore, #tpu.memory_space<semaphore_mem>>)
      } else {
      }
      %dma_wait3A_55 = arith.constant 0 : i32
      %dma_wait3A_56 = arith.constant 0 : i32
      %dma_wait3A_57 = tpu.memref_slice %arg3[%dma_wait3A_55, %dma_wait3A_56] : memref<1000000x128xf32, #tpu.memory_space<hbm>> -> memref<40x128xf32, #tpu.memory_space<hbm>>
      %dma_wait3A_58 = arith.constant 0 : i32
      %dma_wait3A_59 = arith.constant 0 : i32
      %dma_wait3A_60 = tpu.memref_slice %arg3[%dma_wait3A_58, %dma_wait3A_59] : memref<1000000x128xf32, #tpu.memory_space<hbm>> -> memref<40x128xf32, #tpu.memory_space<hbm>>
      tpu.wait_dma2 semaphore(%arg9 : memref<!tpu.dma_semaphore, #tpu.memory_space<semaphore_mem>>) src(%dma_wait3A_60 : memref<40x128xf32, #tpu.memory_space<hbm>>) dst(%arg7 : memref<40x128xf32, #tpu.memory_space<vmem>>)
      %mul3A_61 = arith.constant 40 : i32
      %mul3A_62 = arith.muli %add3A_45, %mul3A_61 : i32
      %multiple_of3A_63 = tpu.assume_multiple %mul3A_62, 40 : i32
      %add3A_64 = arith.addi %mul3A_2, %multiple_of3A_63 : i32
      %dma_start3A_65 = arith.constant 0 : i32
      %dma_start3A_66 = tpu.memref_slice %arg4[%add3A_64, %dma_start3A_65] : memref<51200x128xf32, #tpu.memory_space<hbm>> -> memref<40x128xf32, #tpu.memory_space<hbm>>
      %dma_start3A_67 = arith.constant 0 : i32
      %dma_start3A_68 = tpu.memref_slice %arg4[%add3A_64, %dma_start3A_67] : memref<51200x128xf32, #tpu.memory_space<hbm>> -> memref<40x128xf32, #tpu.memory_space<hbm>>
      tpu.enqueue_dma source(%arg7 : memref<40x128xf32, #tpu.memory_space<vmem>>) target(%dma_start3A_68 : memref<40x128xf32, #tpu.memory_space<hbm>>) target_semaphore(%arg11 : memref<!tpu.dma_semaphore, #tpu.memory_space<semaphore_mem>>)
      %scan3A_69 = arith.constant 0 : i32
      scf.yield %scan3A_69 : i32
    }
    %scan3A_12 = arith.constant 20 : i32
    %dma_wait3A = arith.constant 0 : i32
    %dma_wait3A_13 = tpu.memref_slice %arg4[%mul3A_2, %dma_wait3A] : memref<51200x128xf32, #tpu.memory_space<hbm>> -> memref<40x128xf32, #tpu.memory_space<hbm>>
    %dma_wait3A_14 = arith.constant 0 : i32
    %dma_wait3A_15 = tpu.memref_slice %arg4[%mul3A_2, %dma_wait3A_14] : memref<51200x128xf32, #tpu.memory_space<hbm>> -> memref<40x128xf32, #tpu.memory_space<hbm>>
    tpu.wait_dma2 semaphore(%arg10 : memref<!tpu.dma_semaphore, #tpu.memory_space<semaphore_mem>>) src(%arg6 : memref<40x128xf32, #tpu.memory_space<vmem>>) dst(%dma_wait3A_15 : memref<40x128xf32, #tpu.memory_space<hbm>>)
    %dma_wait3A_16 = arith.constant 0 : i32
    %dma_wait3A_17 = tpu.memref_slice %arg4[%mul3A_2, %dma_wait3A_16] : memref<51200x128xf32, #tpu.memory_space<hbm>> -> memref<40x128xf32, #tpu.memory_space<hbm>>
    %dma_wait3A_18 = arith.constant 0 : i32
    %dma_wait3A_19 = tpu.memref_slice %arg4[%mul3A_2, %dma_wait3A_18] : memref<51200x128xf32, #tpu.memory_space<hbm>> -> memref<40x128xf32, #tpu.memory_space<hbm>>
    tpu.wait_dma2 semaphore(%arg11 : memref<!tpu.dma_semaphore, #tpu.memory_space<semaphore_mem>>) src(%arg7 : memref<40x128xf32, #tpu.memory_space<vmem>>) dst(%dma_wait3A_19 : memref<40x128xf32, #tpu.memory_space<hbm>>)
    return
  }
}

#map = affine_map<(d0, d1) -> (0)>
#map1 = affine_map<(d0, d1) -> (0, 0)>
module attributes {stable_mosaic.version = 14 : i64} {
  func.func @body(%arg0: i32, %arg1: i32, %arg2: memref<51200xi32, #tpu.memory_space<hbm>>, %arg3: memref<1000000x128xf32, #tpu.memory_space<hbm>>, %arg4: memref<51200x128xf32, #tpu.memory_space<hbm>>, %arg5: memref<1600xi32, #tpu.memory_space<vmem>>, %arg6: memref<40x128xf32, #tpu.memory_space<vmem>>, %arg7: memref<40x128xf32, #tpu.memory_space<vmem>>, %arg8: memref<!tpu.dma_semaphore, #tpu.memory_space<semaphore_mem>>, %arg9: memref<!tpu.dma_semaphore, #tpu.memory_space<semaphore_mem>>, %arg10: memref<!tpu.dma_semaphore, #tpu.memory_space<semaphore_mem>>, %arg11: memref<!tpu.dma_semaphore, #tpu.memory_space<semaphore_mem>>) attributes {dimension_semantics = [#tpu.dimension_semantics<core_parallel>, #tpu.dimension_semantics<subcore_parallel>], iteration_bounds = array<i64: 2, 16>, scalar_prefetch = 0 : i64, scratch_operands = 7 : i64, tpu.core_type = #tpu.core_type<sc_vector_subcore>, window_params = [{transform_indices = #map}, {transform_indices = #map1}, {transform_indices = #map1}]} {
    %mul3A = arith.constant 2 : i32
    %mul3A_0 = arith.muli %arg1, %mul3A : i32
    %add3A = arith.addi %mul3A_0, %arg0 : i32
    %mul3A_1 = arith.constant 1600 : i32
    %mul3A_2 = arith.muli %add3A, %mul3A_1 : i32
    "tpu.region"() ({
      %run_scoped3A = tpu.sem_alloc : memref<!tpu.dma_semaphore, #tpu.memory_space<semaphore_mem>>
      %dma_start3A_20 = tpu.memref_slice %arg2[%mul3A_2] : memref<51200xi32, #tpu.memory_space<hbm>> -> memref<1600xi32, #tpu.memory_space<hbm>>
      %dma_start3A_21 = tpu.memref_slice %arg2[%mul3A_2] : memref<51200xi32, #tpu.memory_space<hbm>> -> memref<1600xi32, #tpu.memory_space<hbm>>
      tpu.enqueue_dma source(%dma_start3A_21 : memref<1600xi32, #tpu.memory_space<hbm>>) target(%arg5 : memref<1600xi32, #tpu.memory_space<vmem>>) target_semaphore(%run_scoped3A : memref<!tpu.dma_semaphore, #tpu.memory_space<semaphore_mem>>)
      %dma_wait3A_22 = tpu.memref_slice %arg2[%mul3A_2] : memref<51200xi32, #tpu.memory_space<hbm>> -> memref<1600xi32, #tpu.memory_space<hbm>>
      %dma_wait3A_23 = tpu.memref_slice %arg2[%mul3A_2] : memref<51200xi32, #tpu.memory_space<hbm>> -> memref<1600xi32, #tpu.memory_space<hbm>>
      tpu.wait_dma2 semaphore(%run_scoped3A : memref<!tpu.dma_semaphore, #tpu.memory_space<semaphore_mem>>) src(%dma_wait3A_23 : memref<1600xi32, #tpu.memory_space<hbm>>) dst(%arg5 : memref<1600xi32, #tpu.memory_space<vmem>>)
      tpu.yield
    }) : () -> ()
    %dma_start3A = arith.constant 0 : i32
    %dma_start3A_3 = tpu.memref_slice %arg5[%dma_start3A] : memref<1600xi32, #tpu.memory_space<vmem>> -> memref<40xi32, #tpu.memory_space<vmem>>
    %dma_start3A_4 = arith.constant 0 : i32
    %dma_start3A_5 = arith.constant 0 : i32
    %dma_start3A_6 = tpu.memref_slice %arg3[%dma_start3A_4, %dma_start3A_5] : memref<1000000x128xf32, #tpu.memory_space<hbm>> -> memref<1000000x128xf32, #tpu.memory_space<hbm>>
    tpu.enqueue_indirect_dma source(%dma_start3A_6 : memref<1000000x128xf32, #tpu.memory_space<hbm>>) target(%arg6 : memref<40x128xf32, #tpu.memory_space<vmem>>) offsets(%dma_start3A_3 : memref<40xi32, #tpu.memory_space<vmem>>) semaphore(%arg8 : memref<!tpu.dma_semaphore, #tpu.memory_space<semaphore_mem>>)
    %scan3A = arith.constant 0 : i32
    %scan3A_7 = arith.constant 0 : i32
    %scan3A_8 = arith.constant 20 : i32
    %scan3A_9 = arith.addi %scan3A_7, %scan3A_8 : i32
    %scan3A_10 = arith.constant 1 : i32
    %scan3A_11 = scf.for %scan3A_20 = %scan3A_7 to %scan3A_9 step %scan3A_10 iter_args(%scan3A_21 = %scan3A) -> (i32)  : i32 {
      %mul3A_22 = arith.constant 2 : i32
      %mul3A_23 = arith.muli %scan3A_20, %mul3A_22 : i32
      %add3A_24 = arith.constant 0 : i32
      %add3A_25 = arith.addi %mul3A_23, %add3A_24 : i32
      %add3A_26 = arith.constant 2 : i32
      %add3A_27 = arith.addi %add3A_25, %add3A_26 : i32
      %sub3A = arith.constant 1 : i32
      %sub3A_28 = arith.subi %add3A_27, %sub3A : i32
      %lt3A = arith.constant 40 : i32
      %lt3A_29 = arith.cmpi slt, %sub3A_28, %lt3A : i32
      %convert_element_type3A = arith.extui %lt3A_29 : i1 to i32
      %cond3A = arith.constant 0 : i32
      %cond3A_30 = arith.cmpi ne, %convert_element_type3A, %cond3A : i32
      scf.if %cond3A_30 {
        %gt3A = arith.constant 0 : i32
        %gt3A_70 = arith.cmpi sgt, %add3A_25, %gt3A : i32
        %convert_element_type3A_71 = arith.extui %gt3A_70 : i1 to i32
        %cond3A_72 = arith.constant 0 : i32
        %cond3A_73 = arith.cmpi ne, %convert_element_type3A_71, %cond3A_72 : i32
        scf.if %cond3A_73 {
          %dma_wait3A_85 = arith.constant 0 : i32
          %dma_wait3A_86 = tpu.memref_slice %arg4[%mul3A_2, %dma_wait3A_85] : memref<51200x128xf32, #tpu.memory_space<hbm>> -> memref<40x128xf32, #tpu.memory_space<hbm>>
          %dma_wait3A_87 = arith.constant 0 : i32
          %dma_wait3A_88 = tpu.memref_slice %arg4[%mul3A_2, %dma_wait3A_87] : memref<51200x128xf32, #tpu.memory_space<hbm>> -> memref<40x128xf32, #tpu.memory_space<hbm>>
          tpu.wait_dma2 semaphore(%arg11 : memref<!tpu.dma_semaphore, #tpu.memory_space<semaphore_mem>>) src(%arg7 : memref<40x128xf32, #tpu.memory_space<vmem>>) dst(%dma_wait3A_88 : memref<40x128xf32, #tpu.memory_space<hbm>>)
        } else {
        }
        %add3A_74 = arith.constant 2 : i32
        %add3A_75 = arith.addi %add3A_25, %add3A_74 : i32
        %sub3A_76 = arith.constant 1 : i32
        %sub3A_77 = arith.subi %add3A_75, %sub3A_76 : i32
        %mul3A_78 = arith.constant 40 : i32
        %mul3A_79 = arith.muli %sub3A_77, %mul3A_78 : i32
        %multiple_of3A_80 = tpu.assume_multiple %mul3A_79, 40 : i32
        %dma_start3A_81 = tpu.memref_slice %arg5[%multiple_of3A_80] : memref<1600xi32, #tpu.memory_space<vmem>> -> memref<40xi32, #tpu.memory_space<vmem>>
        %dma_start3A_82 = arith.constant 0 : i32
        %dma_start3A_83 = arith.constant 0 : i32
        %dma_start3A_84 = tpu.memref_slice %arg3[%dma_start3A_82, %dma_start3A_83] : memref<1000000x128xf32, #tpu.memory_space<hbm>> -> memref<1000000x128xf32, #tpu.memory_space<hbm>>
        tpu.enqueue_indirect_dma source(%dma_start3A_84 : memref<1000000x128xf32, #tpu.memory_space<hbm>>) target(%arg7 : memref<40x128xf32, #tpu.memory_space<vmem>>) offsets(%dma_start3A_81 : memref<40xi32, #tpu.memory_space<vmem>>) semaphore(%arg9 : memref<!tpu.dma_semaphore, #tpu.memory_space<semaphore_mem>>)
      } else {
      }
      %dma_wait3A_31 = arith.constant 0 : i32
      %dma_wait3A_32 = arith.constant 0 : i32
      %dma_wait3A_33 = tpu.memref_slice %arg3[%dma_wait3A_31, %dma_wait3A_32] : memref<1000000x128xf32, #tpu.memory_space<hbm>> -> memref<40x128xf32, #tpu.memory_space<hbm>>
      %dma_wait3A_34 = arith.constant 0 : i32
      %dma_wait3A_35 = arith.constant 0 : i32
      %dma_wait3A_36 = tpu.memref_slice %arg3[%dma_wait3A_34, %dma_wait3A_35] : memref<1000000x128xf32, #tpu.memory_space<hbm>> -> memref<40x128xf32, #tpu.memory_space<hbm>>
      tpu.wait_dma2 semaphore(%arg8 : memref<!tpu.dma_semaphore, #tpu.memory_space<semaphore_mem>>) src(%dma_wait3A_36 : memref<40x128xf32, #tpu.memory_space<hbm>>) dst(%arg6 : memref<40x128xf32, #tpu.memory_space<vmem>>)
      %mul3A_37 = arith.constant 40 : i32
      %mul3A_38 = arith.muli %add3A_25, %mul3A_37 : i32
      %multiple_of3A = tpu.assume_multiple %mul3A_38, 40 : i32
      %add3A_39 = arith.addi %mul3A_2, %multiple_of3A : i32
      %dma_start3A_40 = arith.constant 0 : i32
      %dma_start3A_41 = tpu.memref_slice %arg4[%add3A_39, %dma_start3A_40] : memref<51200x128xf32, #tpu.memory_space<hbm>> -> memref<40x128xf32, #tpu.memory_space<hbm>>
      %dma_start3A_42 = arith.constant 0 : i32
      %dma_start3A_43 = tpu.memref_slice %arg4[%add3A_39, %dma_start3A_42] : memref<51200x128xf32, #tpu.memory_space<hbm>> -> memref<40x128xf32, #tpu.memory_space<hbm>>
      tpu.enqueue_dma source(%arg6 : memref<40x128xf32, #tpu.memory_space<vmem>>) target(%dma_start3A_43 : memref<40x128xf32, #tpu.memory_space<hbm>>) target_semaphore(%arg10 : memref<!tpu.dma_semaphore, #tpu.memory_space<semaphore_mem>>)
      %add3A_44 = arith.constant 1 : i32
      %add3A_45 = arith.addi %mul3A_23, %add3A_44 : i32
      %add3A_46 = arith.constant 2 : i32
      %add3A_47 = arith.addi %add3A_45, %add3A_46 : i32
      %sub3A_48 = arith.constant 1 : i32
      %sub3A_49 = arith.subi %add3A_47, %sub3A_48 : i32
      %lt3A_50 = arith.constant 40 : i32
      %lt3A_51 = arith.cmpi slt, %sub3A_49, %lt3A_50 : i32
      %convert_element_type3A_52 = arith.extui %lt3A_51 : i1 to i32
      %cond3A_53 = arith.constant 0 : i32
      %cond3A_54 = arith.cmpi ne, %convert_element_type3A_52, %cond3A_53 : i32
      scf.if %cond3A_54 {
        %gt3A = arith.constant 0 : i32
        %gt3A_70 = arith.cmpi sgt, %add3A_45, %gt3A : i32
        %convert_element_type3A_71 = arith.extui %gt3A_70 : i1 to i32
        %cond3A_72 = arith.constant 0 : i32
        %cond3A_73 = arith.cmpi ne, %convert_element_type3A_71, %cond3A_72 : i32
        scf.if %cond3A_73 {
          %dma_wait3A_85 = arith.constant 0 : i32
          %dma_wait3A_86 = tpu.memref_slice %arg4[%mul3A_2, %dma_wait3A_85] : memref<51200x128xf32, #tpu.memory_space<hbm>> -> memref<40x128xf32, #tpu.memory_space<hbm>>
          %dma_wait3A_87 = arith.constant 0 : i32
          %dma_wait3A_88 = tpu.memref_slice %arg4[%mul3A_2, %dma_wait3A_87] : memref<51200x128xf32, #tpu.memory_space<hbm>> -> memref<40x128xf32, #tpu.memory_space<hbm>>
          tpu.wait_dma2 semaphore(%arg10 : memref<!tpu.dma_semaphore, #tpu.memory_space<semaphore_mem>>) src(%arg6 : memref<40x128xf32, #tpu.memory_space<vmem>>) dst(%dma_wait3A_88 : memref<40x128xf32, #tpu.memory_space<hbm>>)
        } else {
        }
        %add3A_74 = arith.constant 2 : i32
        %add3A_75 = arith.addi %add3A_45, %add3A_74 : i32
        %sub3A_76 = arith.constant 1 : i32
        %sub3A_77 = arith.subi %add3A_75, %sub3A_76 : i32
        %mul3A_78 = arith.constant 40 : i32
        %mul3A_79 = arith.muli %sub3A_77, %mul3A_78 : i32
        %multiple_of3A_80 = tpu.assume_multiple %mul3A_79, 40 : i32
        %dma_start3A_81 = tpu.memref_slice %arg5[%multiple_of3A_80] : memref<1600xi32, #tpu.memory_space<vmem>> -> memref<40xi32, #tpu.memory_space<vmem>>
        %dma_start3A_82 = arith.constant 0 : i32
        %dma_start3A_83 = arith.constant 0 : i32
        %dma_start3A_84 = tpu.memref_slice %arg3[%dma_start3A_82, %dma_start3A_83] : memref<1000000x128xf32, #tpu.memory_space<hbm>> -> memref<1000000x128xf32, #tpu.memory_space<hbm>>
        tpu.enqueue_indirect_dma source(%dma_start3A_84 : memref<1000000x128xf32, #tpu.memory_space<hbm>>) target(%arg6 : memref<40x128xf32, #tpu.memory_space<vmem>>) offsets(%dma_start3A_81 : memref<40xi32, #tpu.memory_space<vmem>>) semaphore(%arg8 : memref<!tpu.dma_semaphore, #tpu.memory_space<semaphore_mem>>)
      } else {
      }
      %dma_wait3A_55 = arith.constant 0 : i32
      %dma_wait3A_56 = arith.constant 0 : i32
      %dma_wait3A_57 = tpu.memref_slice %arg3[%dma_wait3A_55, %dma_wait3A_56] : memref<1000000x128xf32, #tpu.memory_space<hbm>> -> memref<40x128xf32, #tpu.memory_space<hbm>>
      %dma_wait3A_58 = arith.constant 0 : i32
      %dma_wait3A_59 = arith.constant 0 : i32
      %dma_wait3A_60 = tpu.memref_slice %arg3[%dma_wait3A_58, %dma_wait3A_59] : memref<1000000x128xf32, #tpu.memory_space<hbm>> -> memref<40x128xf32, #tpu.memory_space<hbm>>
      tpu.wait_dma2 semaphore(%arg9 : memref<!tpu.dma_semaphore, #tpu.memory_space<semaphore_mem>>) src(%dma_wait3A_60 : memref<40x128xf32, #tpu.memory_space<hbm>>) dst(%arg7 : memref<40x128xf32, #tpu.memory_space<vmem>>)
      %mul3A_61 = arith.constant 40 : i32
      %mul3A_62 = arith.muli %add3A_45, %mul3A_61 : i32
      %multiple_of3A_63 = tpu.assume_multiple %mul3A_62, 40 : i32
      %add3A_64 = arith.addi %mul3A_2, %multiple_of3A_63 : i32
      %dma_start3A_65 = arith.constant 0 : i32
      %dma_start3A_66 = tpu.memref_slice %arg4[%add3A_64, %dma_start3A_65] : memref<51200x128xf32, #tpu.memory_space<hbm>> -> memref<40x128xf32, #tpu.memory_space<hbm>>
      %dma_start3A_67 = arith.constant 0 : i32
      %dma_start3A_68 = tpu.memref_slice %arg4[%add3A_64, %dma_start3A_67] : memref<51200x128xf32, #tpu.memory_space<hbm>> -> memref<40x128xf32, #tpu.memory_space<hbm>>
      tpu.enqueue_dma source(%arg7 : memref<40x128xf32, #tpu.memory_space<vmem>>) target(%dma_start3A_68 : memref<40x128xf32, #tpu.memory_space<hbm>>) target_semaphore(%arg11 : memref<!tpu.dma_semaphore, #tpu.memory_space<semaphore_mem>>)
      %scan3A_69 = arith.constant 0 : i32
      scf.yield %scan3A_69 : i32
    }
    %scan3A_12 = arith.constant 20 : i32
    %dma_wait3A = arith.constant 0 : i32
    %dma_wait3A_13 = tpu.memref_slice %arg4[%mul3A_2, %dma_wait3A] : memref<51200x128xf32, #tpu.memory_space<hbm>> -> memref<40x128xf32, #tpu.memory_space<hbm>>
    %dma_wait3A_14 = arith.constant 0 : i32
    %dma_wait3A_15 = tpu.memref_slice %arg4[%mul3A_2, %dma_wait3A_14] : memref<51200x128xf32, #tpu.memory_space<hbm>> -> memref<40x128xf32, #tpu.memory_space<hbm>>
    tpu.wait_dma2 semaphore(%arg10 : memref<!tpu.dma_semaphore, #tpu.memory_space<semaphore_mem>>) src(%arg6 : memref<40x128xf32, #tpu.memory_space<vmem>>) dst(%dma_wait3A_15 : memref<40x128xf32, #tpu.memory_space<hbm>>)
    %dma_wait3A_16 = arith.constant 0 : i32
    %dma_wait3A_17 = tpu.memref_slice %arg4[%mul3A_2, %dma_wait3A_16] : memref<51200x128xf32, #tpu.memory_space<hbm>> -> memref<40x128xf32, #tpu.memory_space<hbm>>
    %dma_wait3A_18 = arith.constant 0 : i32
    %dma_wait3A_19 = tpu.memref_slice %arg4[%mul3A_2, %dma_wait3A_18] : memref<51200x128xf32, #tpu.memory_space<hbm>> -> memref<40x128xf32, #tpu.memory_space<hbm>>
    tpu.wait_dma2 semaphore(%arg11 : memref<!tpu.dma_semaphore, #tpu.memory_space<semaphore_mem>>) src(%arg7 : memref<40x128xf32, #tpu.memory_space<vmem>>) dst(%dma_wait3A_19 : memref<40x128xf32, #tpu.memory_space<hbm>>)
    return
  }
}

#map = affine_map<(d0, d1) -> (0)>
#map1 = affine_map<(d0, d1) -> (0, 0)>
module attributes {stable_mosaic.version = 14 : i64} {
  func.func @body(%arg0: i32, %arg1: i32, %arg2: memref<51200xi32, #tpu.memory_space<hbm>>, %arg3: memref<1000000x128xf32, #tpu.memory_space<hbm>>, %arg4: memref<51200x128xf32, #tpu.memory_space<hbm>>, %arg5: memref<1600xi32, #tpu.memory_space<vmem>>, %arg6: memref<40x128xf32, #tpu.memory_space<vmem>>, %arg7: memref<40x128xf32, #tpu.memory_space<vmem>>, %arg8: memref<!tpu.dma_semaphore, #tpu.memory_space<semaphore_mem>>, %arg9: memref<!tpu.dma_semaphore, #tpu.memory_space<semaphore_mem>>, %arg10: memref<!tpu.dma_semaphore, #tpu.memory_space<semaphore_mem>>, %arg11: memref<!tpu.dma_semaphore, #tpu.memory_space<semaphore_mem>>) attributes {dimension_semantics = [#tpu.dimension_semantics<core_parallel>, #tpu.dimension_semantics<subcore_parallel>], iteration_bounds = array<i64: 2, 16>, scalar_prefetch = 0 : i64, scratch_operands = 7 : i64, tpu.core_type = #tpu.core_type<sc_vector_subcore>, window_params = [{transform_indices = #map}, {transform_indices = #map1}, {transform_indices = #map1}]} {
    %mul3A = arith.constant 2 : i32
    %mul3A_0 = arith.muli %arg1, %mul3A : i32
    %add3A = arith.addi %mul3A_0, %arg0 : i32
    %mul3A_1 = arith.constant 1600 : i32
    %mul3A_2 = arith.muli %add3A, %mul3A_1 : i32
    "tpu.region"() ({
      %run_scoped3A = tpu.sem_alloc : memref<!tpu.dma_semaphore, #tpu.memory_space<semaphore_mem>>
      %dma_start3A_20 = tpu.memref_slice %arg2[%mul3A_2] : memref<51200xi32, #tpu.memory_space<hbm>> -> memref<1600xi32, #tpu.memory_space<hbm>>
      %dma_start3A_21 = tpu.memref_slice %arg2[%mul3A_2] : memref<51200xi32, #tpu.memory_space<hbm>> -> memref<1600xi32, #tpu.memory_space<hbm>>
      tpu.enqueue_dma source(%dma_start3A_21 : memref<1600xi32, #tpu.memory_space<hbm>>) target(%arg5 : memref<1600xi32, #tpu.memory_space<vmem>>) target_semaphore(%run_scoped3A : memref<!tpu.dma_semaphore, #tpu.memory_space<semaphore_mem>>)
      %dma_wait3A_22 = tpu.memref_slice %arg2[%mul3A_2] : memref<51200xi32, #tpu.memory_space<hbm>> -> memref<1600xi32, #tpu.memory_space<hbm>>
      %dma_wait3A_23 = tpu.memref_slice %arg2[%mul3A_2] : memref<51200xi32, #tpu.memory_space<hbm>> -> memref<1600xi32, #tpu.memory_space<hbm>>
      tpu.wait_dma2 semaphore(%run_scoped3A : memref<!tpu.dma_semaphore, #tpu.memory_space<semaphore_mem>>) src(%dma_wait3A_23 : memref<1600xi32, #tpu.memory_space<hbm>>) dst(%arg5 : memref<1600xi32, #tpu.memory_space<vmem>>)
      tpu.yield
    }) : () -> ()
    %dma_start3A = arith.constant 0 : i32
    %dma_start3A_3 = tpu.memref_slice %arg5[%dma_start3A] : memref<1600xi32, #tpu.memory_space<vmem>> -> memref<40xi32, #tpu.memory_space<vmem>>
    %dma_start3A_4 = arith.constant 0 : i32
    %dma_start3A_5 = arith.constant 0 : i32
    %dma_start3A_6 = tpu.memref_slice %arg3[%dma_start3A_4, %dma_start3A_5] : memref<1000000x128xf32, #tpu.memory_space<hbm>> -> memref<1000000x128xf32, #tpu.memory_space<hbm>>
    tpu.enqueue_indirect_dma source(%dma_start3A_6 : memref<1000000x128xf32, #tpu.memory_space<hbm>>) target(%arg6 : memref<40x128xf32, #tpu.memory_space<vmem>>) offsets(%dma_start3A_3 : memref<40xi32, #tpu.memory_space<vmem>>) semaphore(%arg8 : memref<!tpu.dma_semaphore, #tpu.memory_space<semaphore_mem>>)
    %scan3A = arith.constant 0 : i32
    %scan3A_7 = arith.constant 0 : i32
    %scan3A_8 = arith.constant 20 : i32
    %scan3A_9 = arith.addi %scan3A_7, %scan3A_8 : i32
    %scan3A_10 = arith.constant 1 : i32
    %scan3A_11 = scf.for %scan3A_20 = %scan3A_7 to %scan3A_9 step %scan3A_10 iter_args(%scan3A_21 = %scan3A) -> (i32)  : i32 {
      %mul3A_22 = arith.constant 2 : i32
      %mul3A_23 = arith.muli %scan3A_20, %mul3A_22 : i32
      %add3A_24 = arith.constant 0 : i32
      %add3A_25 = arith.addi %mul3A_23, %add3A_24 : i32
      %add3A_26 = arith.constant 2 : i32
      %add3A_27 = arith.addi %add3A_25, %add3A_26 : i32
      %sub3A = arith.constant 1 : i32
      %sub3A_28 = arith.subi %add3A_27, %sub3A : i32
      %lt3A = arith.constant 40 : i32
      %lt3A_29 = arith.cmpi slt, %sub3A_28, %lt3A : i32
      %convert_element_type3A = arith.extui %lt3A_29 : i1 to i32
      %cond3A = arith.constant 0 : i32
      %cond3A_30 = arith.cmpi ne, %convert_element_type3A, %cond3A : i32
      scf.if %cond3A_30 {
        %gt3A = arith.constant 0 : i32
        %gt3A_70 = arith.cmpi sgt, %add3A_25, %gt3A : i32
        %convert_element_type3A_71 = arith.extui %gt3A_70 : i1 to i32
        %cond3A_72 = arith.constant 0 : i32
        %cond3A_73 = arith.cmpi ne, %convert_element_type3A_71, %cond3A_72 : i32
        scf.if %cond3A_73 {
          %dma_wait3A_85 = arith.constant 0 : i32
          %dma_wait3A_86 = tpu.memref_slice %arg4[%mul3A_2, %dma_wait3A_85] : memref<51200x128xf32, #tpu.memory_space<hbm>> -> memref<40x128xf32, #tpu.memory_space<hbm>>
          %dma_wait3A_87 = arith.constant 0 : i32
          %dma_wait3A_88 = tpu.memref_slice %arg4[%mul3A_2, %dma_wait3A_87] : memref<51200x128xf32, #tpu.memory_space<hbm>> -> memref<40x128xf32, #tpu.memory_space<hbm>>
          tpu.wait_dma2 semaphore(%arg11 : memref<!tpu.dma_semaphore, #tpu.memory_space<semaphore_mem>>) src(%arg7 : memref<40x128xf32, #tpu.memory_space<vmem>>) dst(%dma_wait3A_88 : memref<40x128xf32, #tpu.memory_space<hbm>>)
        } else {
        }
        %add3A_74 = arith.constant 2 : i32
        %add3A_75 = arith.addi %add3A_25, %add3A_74 : i32
        %sub3A_76 = arith.constant 1 : i32
        %sub3A_77 = arith.subi %add3A_75, %sub3A_76 : i32
        %mul3A_78 = arith.constant 40 : i32
        %mul3A_79 = arith.muli %sub3A_77, %mul3A_78 : i32
        %multiple_of3A_80 = tpu.assume_multiple %mul3A_79, 40 : i32
        %dma_start3A_81 = tpu.memref_slice %arg5[%multiple_of3A_80] : memref<1600xi32, #tpu.memory_space<vmem>> -> memref<40xi32, #tpu.memory_space<vmem>>
        %dma_start3A_82 = arith.constant 0 : i32
        %dma_start3A_83 = arith.constant 0 : i32
        %dma_start3A_84 = tpu.memref_slice %arg3[%dma_start3A_82, %dma_start3A_83] : memref<1000000x128xf32, #tpu.memory_space<hbm>> -> memref<1000000x128xf32, #tpu.memory_space<hbm>>
        tpu.enqueue_indirect_dma source(%dma_start3A_84 : memref<1000000x128xf32, #tpu.memory_space<hbm>>) target(%arg7 : memref<40x128xf32, #tpu.memory_space<vmem>>) offsets(%dma_start3A_81 : memref<40xi32, #tpu.memory_space<vmem>>) semaphore(%arg9 : memref<!tpu.dma_semaphore, #tpu.memory_space<semaphore_mem>>)
      } else {
      }
      %dma_wait3A_31 = arith.constant 0 : i32
      %dma_wait3A_32 = arith.constant 0 : i32
      %dma_wait3A_33 = tpu.memref_slice %arg3[%dma_wait3A_31, %dma_wait3A_32] : memref<1000000x128xf32, #tpu.memory_space<hbm>> -> memref<40x128xf32, #tpu.memory_space<hbm>>
      %dma_wait3A_34 = arith.constant 0 : i32
      %dma_wait3A_35 = arith.constant 0 : i32
      %dma_wait3A_36 = tpu.memref_slice %arg3[%dma_wait3A_34, %dma_wait3A_35] : memref<1000000x128xf32, #tpu.memory_space<hbm>> -> memref<40x128xf32, #tpu.memory_space<hbm>>
      tpu.wait_dma2 semaphore(%arg8 : memref<!tpu.dma_semaphore, #tpu.memory_space<semaphore_mem>>) src(%dma_wait3A_36 : memref<40x128xf32, #tpu.memory_space<hbm>>) dst(%arg6 : memref<40x128xf32, #tpu.memory_space<vmem>>)
      %mul3A_37 = arith.constant 40 : i32
      %mul3A_38 = arith.muli %add3A_25, %mul3A_37 : i32
      %multiple_of3A = tpu.assume_multiple %mul3A_38, 40 : i32
      %add3A_39 = arith.addi %mul3A_2, %multiple_of3A : i32
      %dma_start3A_40 = arith.constant 0 : i32
      %dma_start3A_41 = tpu.memref_slice %arg4[%add3A_39, %dma_start3A_40] : memref<51200x128xf32, #tpu.memory_space<hbm>> -> memref<40x128xf32, #tpu.memory_space<hbm>>
      %dma_start3A_42 = arith.constant 0 : i32
      %dma_start3A_43 = tpu.memref_slice %arg4[%add3A_39, %dma_start3A_42] : memref<51200x128xf32, #tpu.memory_space<hbm>> -> memref<40x128xf32, #tpu.memory_space<hbm>>
      tpu.enqueue_dma source(%arg6 : memref<40x128xf32, #tpu.memory_space<vmem>>) target(%dma_start3A_43 : memref<40x128xf32, #tpu.memory_space<hbm>>) target_semaphore(%arg10 : memref<!tpu.dma_semaphore, #tpu.memory_space<semaphore_mem>>)
      %add3A_44 = arith.constant 1 : i32
      %add3A_45 = arith.addi %mul3A_23, %add3A_44 : i32
      %add3A_46 = arith.constant 2 : i32
      %add3A_47 = arith.addi %add3A_45, %add3A_46 : i32
      %sub3A_48 = arith.constant 1 : i32
      %sub3A_49 = arith.subi %add3A_47, %sub3A_48 : i32
      %lt3A_50 = arith.constant 40 : i32
      %lt3A_51 = arith.cmpi slt, %sub3A_49, %lt3A_50 : i32
      %convert_element_type3A_52 = arith.extui %lt3A_51 : i1 to i32
      %cond3A_53 = arith.constant 0 : i32
      %cond3A_54 = arith.cmpi ne, %convert_element_type3A_52, %cond3A_53 : i32
      scf.if %cond3A_54 {
        %gt3A = arith.constant 0 : i32
        %gt3A_70 = arith.cmpi sgt, %add3A_45, %gt3A : i32
        %convert_element_type3A_71 = arith.extui %gt3A_70 : i1 to i32
        %cond3A_72 = arith.constant 0 : i32
        %cond3A_73 = arith.cmpi ne, %convert_element_type3A_71, %cond3A_72 : i32
        scf.if %cond3A_73 {
          %dma_wait3A_85 = arith.constant 0 : i32
          %dma_wait3A_86 = tpu.memref_slice %arg4[%mul3A_2, %dma_wait3A_85] : memref<51200x128xf32, #tpu.memory_space<hbm>> -> memref<40x128xf32, #tpu.memory_space<hbm>>
          %dma_wait3A_87 = arith.constant 0 : i32
          %dma_wait3A_88 = tpu.memref_slice %arg4[%mul3A_2, %dma_wait3A_87] : memref<51200x128xf32, #tpu.memory_space<hbm>> -> memref<40x128xf32, #tpu.memory_space<hbm>>
          tpu.wait_dma2 semaphore(%arg10 : memref<!tpu.dma_semaphore, #tpu.memory_space<semaphore_mem>>) src(%arg6 : memref<40x128xf32, #tpu.memory_space<vmem>>) dst(%dma_wait3A_88 : memref<40x128xf32, #tpu.memory_space<hbm>>)
        } else {
        }
        %add3A_74 = arith.constant 2 : i32
        %add3A_75 = arith.addi %add3A_45, %add3A_74 : i32
        %sub3A_76 = arith.constant 1 : i32
        %sub3A_77 = arith.subi %add3A_75, %sub3A_76 : i32
        %mul3A_78 = arith.constant 40 : i32
        %mul3A_79 = arith.muli %sub3A_77, %mul3A_78 : i32
        %multiple_of3A_80 = tpu.assume_multiple %mul3A_79, 40 : i32
        %dma_start3A_81 = tpu.memref_slice %arg5[%multiple_of3A_80] : memref<1600xi32, #tpu.memory_space<vmem>> -> memref<40xi32, #tpu.memory_space<vmem>>
        %dma_start3A_82 = arith.constant 0 : i32
        %dma_start3A_83 = arith.constant 0 : i32
        %dma_start3A_84 = tpu.memref_slice %arg3[%dma_start3A_82, %dma_start3A_83] : memref<1000000x128xf32, #tpu.memory_space<hbm>> -> memref<1000000x128xf32, #tpu.memory_space<hbm>>
        tpu.enqueue_indirect_dma source(%dma_start3A_84 : memref<1000000x128xf32, #tpu.memory_space<hbm>>) target(%arg6 : memref<40x128xf32, #tpu.memory_space<vmem>>) offsets(%dma_start3A_81 : memref<40xi32, #tpu.memory_space<vmem>>) semaphore(%arg8 : memref<!tpu.dma_semaphore, #tpu.memory_space<semaphore_mem>>)
      } else {
      }
      %dma_wait3A_55 = arith.constant 0 : i32
      %dma_wait3A_56 = arith.constant 0 : i32
      %dma_wait3A_57 = tpu.memref_slice %arg3[%dma_wait3A_55, %dma_wait3A_56] : memref<1000000x128xf32, #tpu.memory_space<hbm>> -> memref<40x128xf32, #tpu.memory_space<hbm>>
      %dma_wait3A_58 = arith.constant 0 : i32
      %dma_wait3A_59 = arith.constant 0 : i32
      %dma_wait3A_60 = tpu.memref_slice %arg3[%dma_wait3A_58, %dma_wait3A_59] : memref<1000000x128xf32, #tpu.memory_space<hbm>> -> memref<40x128xf32, #tpu.memory_space<hbm>>
      tpu.wait_dma2 semaphore(%arg9 : memref<!tpu.dma_semaphore, #tpu.memory_space<semaphore_mem>>) src(%dma_wait3A_60 : memref<40x128xf32, #tpu.memory_space<hbm>>) dst(%arg7 : memref<40x128xf32, #tpu.memory_space<vmem>>)
      %mul3A_61 = arith.constant 40 : i32
      %mul3A_62 = arith.muli %add3A_45, %mul3A_61 : i32
      %multiple_of3A_63 = tpu.assume_multiple %mul3A_62, 40 : i32
      %add3A_64 = arith.addi %mul3A_2, %multiple_of3A_63 : i32
      %dma_start3A_65 = arith.constant 0 : i32
      %dma_start3A_66 = tpu.memref_slice %arg4[%add3A_64, %dma_start3A_65] : memref<51200x128xf32, #tpu.memory_space<hbm>> -> memref<40x128xf32, #tpu.memory_space<hbm>>
      %dma_start3A_67 = arith.constant 0 : i32
      %dma_start3A_68 = tpu.memref_slice %arg4[%add3A_64, %dma_start3A_67] : memref<51200x128xf32, #tpu.memory_space<hbm>> -> memref<40x128xf32, #tpu.memory_space<hbm>>
      tpu.enqueue_dma source(%arg7 : memref<40x128xf32, #tpu.memory_space<vmem>>) target(%dma_start3A_68 : memref<40x128xf32, #tpu.memory_space<hbm>>) target_semaphore(%arg11 : memref<!tpu.dma_semaphore, #tpu.memory_space<semaphore_mem>>)
      %scan3A_69 = arith.constant 0 : i32
      scf.yield %scan3A_69 : i32
    }
    %scan3A_12 = arith.constant 20 : i32
    %dma_wait3A = arith.constant 0 : i32
    %dma_wait3A_13 = tpu.memref_slice %arg4[%mul3A_2, %dma_wait3A] : memref<51200x128xf32, #tpu.memory_space<hbm>> -> memref<40x128xf32, #tpu.memory_space<hbm>>
    %dma_wait3A_14 = arith.constant 0 : i32
    %dma_wait3A_15 = tpu.memref_slice %arg4[%mul3A_2, %dma_wait3A_14] : memref<51200x128xf32, #tpu.memory_space<hbm>> -> memref<40x128xf32, #tpu.memory_space<hbm>>
    tpu.wait_dma2 semaphore(%arg10 : memref<!tpu.dma_semaphore, #tpu.memory_space<semaphore_mem>>) src(%arg6 : memref<40x128xf32, #tpu.memory_space<vmem>>) dst(%dma_wait3A_15 : memref<40x128xf32, #tpu.memory_space<hbm>>)
    %dma_wait3A_16 = arith.constant 0 : i32
    %dma_wait3A_17 = tpu.memref_slice %arg4[%mul3A_2, %dma_wait3A_16] : memref<51200x128xf32, #tpu.memory_space<hbm>> -> memref<40x128xf32, #tpu.memory_space<hbm>>
    %dma_wait3A_18 = arith.constant 0 : i32
    %dma_wait3A_19 = tpu.memref_slice %arg4[%mul3A_2, %dma_wait3A_18] : memref<51200x128xf32, #tpu.memory_space<hbm>> -> memref<40x128xf32, #tpu.memory_space<hbm>>
    tpu.wait_dma2 semaphore(%arg11 : memref<!tpu.dma_semaphore, #tpu.memory_space<semaphore_mem>>) src(%arg7 : memref<40x128xf32, #tpu.memory_space<vmem>>) dst(%dma_wait3A_19 : memref<40x128xf32, #tpu.memory_space<hbm>>)
    return
  }
}

module attributes {stable_mosaic.version = 14 : i64} {
  func.func @_tc_body(%arg0: i32, %arg1: memref<32x200x128xf32, #tpu.memory_space<vmem>>, %arg2: memref<32x200xi32, #tpu.memory_space<vmem>>, %arg3: memref<200x128xf32, #tpu.memory_space<vmem>>, %arg4: memref<2x128xf32, #tpu.memory_space<vmem>>, %arg5: memref<128xf32, #tpu.memory_space<vmem>>, %arg6: memref<128xf32, #tpu.memory_space<vmem>>, %arg7: memref<32x200x128xf32, #tpu.memory_space<vmem>>) attributes {dimension_semantics = [#tpu.dimension_semantics<arbitrary>], iteration_bounds = array<i64: 8>, scalar_prefetch = 0 : i64, scratch_operands = 0 : i64, tpu.core_type = #tpu.core_type<tc>, window_params = [{transform_indices = @transform_0, window_bounds = array<i64: 32, 200, 128>}, {transform_indices = @transform_1, window_bounds = array<i64: 32, 200>}, {pipeline_mode = #tpu.pipeline_mode<synchronous>, transform_indices = @transform_2, window_bounds = array<i64: 200, 128>}, {pipeline_mode = #tpu.pipeline_mode<synchronous>, transform_indices = @transform_3, window_bounds = array<i64: 2, 128>}, {pipeline_mode = #tpu.pipeline_mode<synchronous>, transform_indices = @transform_4, window_bounds = array<i64: 128>}, {pipeline_mode = #tpu.pipeline_mode<synchronous>, transform_indices = @transform_5, window_bounds = array<i64: 128>}, {transform_indices = @transform_6, window_bounds = array<i64: 32, 200, 128>}]} {
    %get3A = arith.constant 0 : index
    %get3A_0 = arith.constant 0 : index
    %get3A_1 = arith.constant 0 : index
    %get3A_2 = vector.load %arg1[%get3A, %get3A_0, %get3A_1] : memref<32x200x128xf32, #tpu.memory_space<vmem>>, vector<32x200x128xf32>
    %get3A_3 = arith.constant 0 : index
    %get3A_4 = arith.constant 0 : index
    %get3A_5 = vector.load %arg2[%get3A_3, %get3A_4] : memref<32x200xi32, #tpu.memory_space<vmem>>, vector<32x200xi32>
    %convert_element_type3A = arith.sitofp %get3A_5 : vector<32x200xi32> to vector<32x200xf32>
    %get3A_6 = arith.constant 0 : index
    %get3A_7 = arith.constant 0 : index
    %get3A_8 = vector.load %arg3[%get3A_6, %get3A_7] : memref<200x128xf32, #tpu.memory_space<vmem>>, vector<200x128xf32>
    %get3A_9 = arith.constant 0 : index
    %get3A_10 = arith.constant 0 : index
    %get3A_11 = vector.load %arg4[%get3A_9, %get3A_10] : memref<2x128xf32, #tpu.memory_space<vmem>>, vector<1x128xf32>
    %get3A_12 = vector.shape_cast %get3A_11 : vector<1x128xf32> to vector<128xf32>
    %get3A_13 = arith.constant 1 : index
    %get3A_14 = arith.constant 0 : index
    %get3A_15 = vector.load %arg4[%get3A_13, %get3A_14] : memref<2x128xf32, #tpu.memory_space<vmem>>, vector<1x128xf32>
    %get3A_16 = vector.shape_cast %get3A_15 : vector<1x128xf32> to vector<128xf32>
    %sub3A = arith.subf %get3A_16, %get3A_12 : vector<128xf32>
    %broadcast_in_dim3A = vector.shape_cast %get3A_8 : vector<200x128xf32> to vector<1x200x128xf32>
    %add3A = vector.broadcast %broadcast_in_dim3A : vector<1x200x128xf32> to vector<32x200x128xf32>
    %add3A_17 = arith.addf %get3A_2, %add3A : vector<32x200x128xf32>
    %broadcast_in_dim3A_18 = vector.shape_cast %get3A_12 : vector<128xf32> to vector<1x1x128xf32>
    %add3A_19 = vector.broadcast %broadcast_in_dim3A_18 : vector<1x1x128xf32> to vector<32x200x128xf32>
    %add3A_20 = arith.addf %add3A_17, %add3A_19 : vector<32x200x128xf32>
    %broadcast_in_dim3A_21 = vector.shape_cast %convert_element_type3A : vector<32x200xf32> to vector<32x200x1xf32>
    %broadcast_in_dim3A_22 = vector.shape_cast %sub3A : vector<128xf32> to vector<1x1x128xf32>
    %mul3A = vector.broadcast %broadcast_in_dim3A_21 : vector<32x200x1xf32> to vector<32x200x128xf32>
    %mul3A_23 = vector.broadcast %broadcast_in_dim3A_22 : vector<1x1x128xf32> to vector<32x200x128xf32>
    %mul3A_24 = arith.mulf %mul3A, %mul3A_23 : vector<32x200x128xf32>
    %add3A_25 = arith.addf %add3A_20, %mul3A_24 : vector<32x200x128xf32>
    %reduce_sum3A = arith.constant dense<0.000000e+00> : vector<32x200xf32>
    %reduce_sum3A_26 = vector.multi_reduction <add>, %add3A_25, %reduce_sum3A [2] : vector<32x200x128xf32> to vector<32x200xf32>
    %broadcast_in_dim3A_27 = vector.shape_cast %reduce_sum3A_26 : vector<32x200xf32> to vector<32x200x1xf32>
    %div3A = arith.constant 1.280000e+02 : f32
    %div3A_28 = vector.broadcast %div3A : f32 to vector<32x200x1xf32>
    %div3A_29 = arith.divf %broadcast_in_dim3A_27, %div3A_28 : vector<32x200x1xf32>
    %mul3A_30 = arith.mulf %add3A_25, %add3A_25 : vector<32x200x128xf32>
    %reduce_sum3A_31 = arith.constant dense<0.000000e+00> : vector<32x200xf32>
    %reduce_sum3A_32 = vector.multi_reduction <add>, %mul3A_30, %reduce_sum3A_31 [2] : vector<32x200x128xf32> to vector<32x200xf32>
    %broadcast_in_dim3A_33 = vector.shape_cast %reduce_sum3A_32 : vector<32x200xf32> to vector<32x200x1xf32>
    %div3A_34 = arith.constant 1.280000e+02 : f32
    %div3A_35 = vector.broadcast %div3A_34 : f32 to vector<32x200x1xf32>
    %div3A_36 = arith.divf %broadcast_in_dim3A_33, %div3A_35 : vector<32x200x1xf32>
    %mul3A_37 = arith.mulf %div3A_29, %div3A_29 : vector<32x200x1xf32>
    %sub3A_38 = arith.subf %div3A_36, %mul3A_37 : vector<32x200x1xf32>
    %sub3A_39 = vector.broadcast %div3A_29 : vector<32x200x1xf32> to vector<32x200x128xf32>
    %sub3A_40 = arith.subf %add3A_25, %sub3A_39 : vector<32x200x128xf32>
    %add3A_41 = arith.constant 9.99999996E-13 : f32
    %add3A_42 = vector.broadcast %add3A_41 : f32 to vector<32x200x1xf32>
    %add3A_43 = arith.addf %sub3A_38, %add3A_42 : vector<32x200x1xf32>
    %rsqrt3A = math.rsqrt %add3A_43 : vector<32x200x1xf32>
    %mul3A_44 = vector.broadcast %rsqrt3A : vector<32x200x1xf32> to vector<32x200x128xf32>
    %mul3A_45 = arith.mulf %sub3A_40, %mul3A_44 : vector<32x200x128xf32>
    %get3A_46 = arith.constant 0 : index
    %get3A_47 = vector.load %arg5[%get3A_46] : memref<128xf32, #tpu.memory_space<vmem>>, vector<128xf32>
    %broadcast_in_dim3A_48 = vector.shape_cast %get3A_47 : vector<128xf32> to vector<1x1x128xf32>
    %mul3A_49 = vector.broadcast %broadcast_in_dim3A_48 : vector<1x1x128xf32> to vector<32x200x128xf32>
    %mul3A_50 = arith.mulf %mul3A_45, %mul3A_49 : vector<32x200x128xf32>
    %get3A_51 = arith.constant 0 : index
    %get3A_52 = vector.load %arg6[%get3A_51] : memref<128xf32, #tpu.memory_space<vmem>>, vector<128xf32>
    %broadcast_in_dim3A_53 = vector.shape_cast %get3A_52 : vector<128xf32> to vector<1x1x128xf32>
    %add3A_54 = vector.broadcast %broadcast_in_dim3A_53 : vector<1x1x128xf32> to vector<32x200x128xf32>
    %add3A_55 = arith.addf %mul3A_50, %add3A_54 : vector<32x200x128xf32>
    %swap3A = arith.constant 0 : index
    %swap3A_56 = arith.constant 0 : index
    %swap3A_57 = arith.constant 0 : index
    %swap3A_58 = vector.load %arg7[%swap3A, %swap3A_56, %swap3A_57] : memref<32x200x128xf32, #tpu.memory_space<vmem>>, vector<32x200x128xf32>
    tpu.vector_store %arg7[%swap3A, %swap3A_56, %swap3A_57], %add3A_55 {strides = array<i32>} : memref<32x200x128xf32, #tpu.memory_space<vmem>>, vector<32x200x128xf32>,
    return
  }
  func.func @transform_0(%arg0: i32) -> (i32, i32, i32) {
    %c0_i32 = arith.constant 0 : i32
    %c0_i32_0 = arith.constant 0 : i32
    %c0_i32_1 = arith.constant 0 : i32
    return %arg0, %c0_i32, %c0_i32_0 : i32, i32, i32
  }
  func.func @transform_1(%arg0: i32) -> (i32, i32) {
    %c0_i32 = arith.constant 0 : i32
    %c0_i32_0 = arith.constant 0 : i32
    return %arg0, %c0_i32 : i32, i32
  }
  func.func @transform_2(%arg0: i32) -> (i32, i32) {
    %c0_i32 = arith.constant 0 : i32
    %c0_i32_0 = arith.constant 0 : i32
    %c0_i32_1 = arith.constant 0 : i32
    return %c0_i32, %c0_i32_0 : i32, i32
  }
  func.func @transform_3(%arg0: i32) -> (i32, i32) {
    %c0_i32 = arith.constant 0 : i32
    %c0_i32_0 = arith.constant 0 : i32
    %c0_i32_1 = arith.constant 0 : i32
    return %c0_i32, %c0_i32_0 : i32, i32
  }
  func.func @transform_4(%arg0: i32) -> i32 {
    %c0_i32 = arith.constant 0 : i32
    %c0_i32_0 = arith.constant 0 : i32
    return %c0_i32 : i32
  }
  func.func @transform_5(%arg0: i32) -> i32 {
    %c0_i32 = arith.constant 0 : i32
    %c0_i32_0 = arith.constant 0 : i32
    return %c0_i32 : i32
  }
  func.func @transform_6(%arg0: i32) -> (i32, i32, i32) {
    %c0_i32 = arith.constant 0 : i32
    %c0_i32_0 = arith.constant 0 : i32
    %c0_i32_1 = arith.constant 0 : i32
    return %arg0, %c0_i32, %c0_i32_0 : i32, i32, i32
  }
}

</mosaic_0001>

<sc_bundles>
// kernel: _embed.10.cloned.1.call-start
scs
__scs_entry_jumppad:
0x0: {  	(pc) =	sbr.rel $0x88, $3  }
0x1: {  	(tag) =	ssettag $0x0;
	lr =	simm.s32 $0x1  }
0x2: {  	[smem:$0x3F9A] =	sst lr;
	_ =	strace $0xD0000000  }
0x3: {  	_ = 	snop  }
0x4: {  	_ = 	snop  }
0x5: {  	_ = 	snop  }
0x6: {  	_ = 	snop  }
0x7: {  	_ = 	snop  }
__scs_overlays_trampoline_lowered:
0x8: {  	[smem:$0x3FA9] =	sst s0  }
0x9: {  	[smem:$0x3FAA] =	sst s1  }
0xa: {  	[smem:$0x3FAB] =	sst s2  }
0xb: {  	[smem:$0x3FAC] =	sst s3  }
0xc: {  	[smem:$0x3FAD] =	sst s4  }
0xd: {  	[smem:$0x3FAE] =	sst s5  }
0xe: {  	[smem:$0x3FAF] =	sst s6  }
0xf: {  	[smem:$0x3FB0] =	sst s7  }
0x10: {  	[smem:$0x3FB1] =	sst s8  }
0x11: {  	[smem:$0x3FB2] =	sst s9;
	s0 =	simm.s32 @!p0 $0x0  }
0x12: {  	s1 =	sld [smem:$0x3F98];
	s0 =	simm.s32 @p0 $0x1  }
0x13: {  	[smem:$0x3FB3] =	sst s0;
	s0 =	simm.s32 @!p1 $0x0  }
0x14: {  	s2 =	sld [smem:$0x3F97];
	s0 =	simm.s32 @p1 $0x1  }
0x15: {  	[smem:$0x3FB4] =	sst s0;
	s0 =	simm.s32 @!p2 $0x0  }
0x16: {  	s3 =	sld [smem:$0x3FDB];
	s0 =	simm.s32 @p2 $0x1  }
0x17: {  	s4 =	simm.s32 $0x1BF5;
	[smem:$0x3FB6] =	sst s0  }
0x18: {  	s0 =	sld [smem:$0x3F99];
	_ =	swait.ge [sflag:s4], $0x0  }
0x19: {  	s7 =	sld [smem:$0x3F9A]  }
0x1a: {  	s8 =	sadd.s32 $0xFFFFE003, lr  }
0x1b: {  	s9 =	sadd.s32 $0xFFFFFEF7, lr;
	s5 =	simm.s32 $0xFFFFFFFF;
	p2 =	slt.u32 s8, $0xFFFFF086  }
0x1c: {  	p1 =	slt.u32 s9, $0xF7A;
	s5 =	simm.s32 @!p2 $0x0  }
0x1d: {  	s5 =	simm.s32 @p1 $0x1;
	p0 =	seq.s32 s7, s2  }
0x1e: {  	s7 =	smul.u32 @!p0 $0xF7A, s2;
	p2 =	seq.s32 @!p0 s5, $0x0  }
0x1f: {  	s9 =	smul.u32 $0xF7A, s1;
	s8 =	simm.s32 @!p0 $0x1BF5;
	p2 =	por !p2, p0  }
0x20: {  	[sflag:s8] =	ssyncset.s32 @!p0 $0xFFFFF086;
	s6 =	sadd.s32 @!p0 s3, s7;
	s7 =	simm.s32 @!p0 $0x108  }
0x21: {  	s3 =	sadd.s32 s3, s9;
	s6 =	sadd.s32 @!p0 $0x88, s6;
	s7 =	simm.s32 @p2 $0x1082  }
0x22: {  	[simem:s7], [sflag:s8] =	dma.local @!p0 [hbm:s6], $0xF7A  }
0x23: {  	s9 =	sor.u32 $0xD0000000, s2;
	s6 =	simm.s32 $0x108;
	_ =	swait.ge @!p0 [sflag:s8], $0x0  }
0x24: {  	s3 =	sadd.s32 $0x88, s3;
	s6 =	simm.s32 @!p1 $0x1082;
	[sflag:s4] =	ssyncset.s32 $0xFFFFF086  }
0x25: {  	[simem:s6], [sflag:s4] =	dma.local [hbm:s3], $0xF7A  }
0x26: {  	[smem:$0x3F9A] =	sst s1;
	(tag) =	ssettag s2;
	_ =	strace s9  }
0x27: {  	s1 =	sld [smem:$0x3FAA]  }
0x28: {  	s2 =	sld [smem:$0x3FAB]  }
0x29: {  	s4 =	sld [smem:$0x3FAD]  }
0x2a: {  	p0 =	seq.s32 s5, $0x0;
	s5 =	sld [smem:$0x3FAE]  }
0x2b: {  	s6 =	sld [smem:$0x3FAF]  }
0x2c: {  	s7 =	sld [smem:$0x3FB0]  }
0x2d: {  	s3 =	simm.s32 $0x108;
	s8 =	sld [smem:$0x3FB1]  }
0x2e: {  	s3 =	simm.s32 @!p0 $0x1082;
	s9 =	sld [smem:$0x3FB2]  }
0x2f: {  	lr =	sadd.s32 s0, s3;
	s0 =	sld [smem:$0x3FA9]  }
0x30: {  	s3 =	sld [smem:$0x3FAC]  }
0x31: {  	[smem:$0x3FB5] =	sst s10  }
0x32: {  	s10 =	sld [smem:$0x3FB3];
	_ =	sdelay $0x3  }
0x33: {  	p0 =	seq.s32 s10, $0x1;
	s10 =	sld [smem:$0x3FB5];
	_ =	sdelay $0x3  }
0x34: {  	[smem:$0x3FB5] =	sst s10  }
0x35: {  	s10 =	sld [smem:$0x3FB4];
	_ =	sdelay $0x3  }
0x36: {  	p1 =	seq.s32 s10, $0x1;
	s10 =	sld [smem:$0x3FB5];
	_ =	sdelay $0x3  }
0x37: {  	[smem:$0x3FB5] =	sst s10  }
0x38: {  	s10 =	sld [smem:$0x3FB6]  }
0x39: {  	_ = 	snop;
	(pc) =	sbr.ind lr, $3  }
0x3a: {  	_ = 	snop  }
0x3b: {  	_ = 	snop  }
0x3c: {  	p2 =	seq.s32 s10, $0x1;
	s10 =	sld [smem:$0x3FB5]  }
0x3d: {  	_ =	shalt  }
0x3e: {  	_ =	shalt  }
0x3f: {  	_ =	shalt  }
0x40: {  	_ =	shalt  }
0x41: {  	_ =	shalt  }
0x42: {  	_ =	shalt  }
0x43: {  	_ =	shalt  }
0x44: {  	_ =	shalt  }
0x45: {  	_ =	shalt  }
0x46: {  	_ =	shalt  }
0x47: {  	_ =	shalt  }
0x48: {  	_ =	shalt  }
0x49: {  	_ =	shalt  }
0x4a: {  	_ =	shalt  }
0x4b: {  	_ =	shalt  }
0x4c: {  	_ =	shalt  }
0x4d: {  	_ =	shalt  }
0x4e: {  	_ =	shalt  }
0x4f: {  	_ =	shalt  }
0x50: {  	_ =	shalt  }
0x51: {  	_ =	shalt  }
0x52: {  	_ =	shalt  }
0x53: {  	_ =	shalt  }
0x54: {  	_ =	shalt  }
0x55: {  	_ =	shalt  }
0x56: {  	_ =	shalt  }
0x57: {  	_ =	shalt  }
0x58: {  	_ =	shalt  }
0x59: {  	_ =	shalt  }
0x5a: {  	_ =	shalt  }
0x5b: {  	_ =	shalt  }
0x5c: {  	_ =	shalt  }
0x5d: {  	_ =	shalt  }
0x5e: {  	_ =	shalt  }
0x5f: {  	_ =	shalt  }
0x60: {  	_ =	shalt  }
0x61: {  	_ =	shalt  }
0x62: {  	_ =	shalt  }
0x63: {  	_ =	shalt  }
0x64: {  	_ =	shalt  }
0x65: {  	_ =	shalt  }
0x66: {  	_ =	shalt  }
0x67: {  	_ =	shalt  }
0x68: {  	_ =	shalt  }
0x69: {  	_ =	shalt  }
0x6a: {  	_ =	shalt  }
0x6b: {  	_ =	shalt  }
0x6c: {  	_ =	shalt  }
0x6d: {  	_ =	shalt  }
0x6e: {  	_ =	shalt  }
0x6f: {  	_ =	shalt  }
0x70: {  	_ =	shalt  }
0x71: {  	_ =	shalt  }
0x72: {  	_ =	shalt  }
0x73: {  	_ =	shalt  }
0x74: {  	_ =	shalt  }
0x75: {  	_ =	shalt  }
0x76: {  	_ =	shalt  }
0x77: {  	_ =	shalt  }
0x78: {  	_ =	shalt  }
0x79: {  	_ =	shalt  }
0x7a: {  	_ =	shalt  }
0x7b: {  	_ =	shalt  }
0x7c: {  	_ =	shalt  }
0x7d: {  	_ =	shalt  }
0x7e: {  	_ =	shalt  }
0x7f: {  	_ =	shalt  }
0x80: {  	_ =	shalt  }
0x81: {  	_ =	shalt  }
0x82: {  	_ =	shalt  }
0x83: {  	_ =	shalt  }
0x84: {  	_ =	shalt  }
0x85: {  	_ =	shalt  }
0x86: {  	_ =	shalt  }
0x87: {  	_ =	shalt  }
.Lfunc_end0:
.L_simem_size_0:
called_computation_lowered:
.L_overlay_start_0:
0x88: {  	s2 =	sld [smem:$0x3FD9]  }
0x89: {  	s3 =	sld [smem:$0x3FFE];
	_ =	sdelay $0x1  }
0x8a: {  	s1 =	srdreg.scid  }
0x8b: {  	s0 =	sand.u32 $0x1, s1  }
0x8c: {  	s17 =	sshll.u32 s0, $0xA;
	s2 =	sadd.s32 s3, s2  }
0x8d: {  	s2 =	sadd.s32 s2, s17  }
0x8e: {  	[smem:$0x3FC1] =	sst s2  }
0x8f: {  	_ = 	snop  }
0x90: {  	s18 =	sld [smem:$0x3FC7];
	(tm) =	ssettm $0x1  }
0x91: {  	s19 =	sld [smem:$0x3FFB];
	_ =	sdelay $0x3  }
0x92: {  	_ =	strace s19  }
0x93: {  	s2 =	sld [smem:$0x3FFC];
	_ =	sdelay $0x3  }
0x94: {  	_ =	strace s2  }
0x95: {  	s2 =	sld [smem:$0x3FFD];
	_ =	sdelay $0x3  }
0x96: {  	_ =	strace s2  }
0x97: {  	_ =	strace $0x8FFFFFFF  }
0x98: {  	s20 =	sld [smem:$0x3FDB];
	_ =	sdelay $0x1  }
0x99: {  	s4 =	simm.s32 $_scs_section_size  }
0x9a: {  	s5 =	simm.s32 $_size__tile_overlayer_lowered;
	s6 =	simm.s32 $_tile_overlayer_lowered  }
0x9b: {  	s7 =	simm.s32 $0x1BFF;
	s21 =	sshll.u32 s6, $0x1;
	s4 =	sadd.s32 s4, s20  }
0x9c: {  	s22 =	simm.s32 $0x0;
	s5 =	sshll.u32 s5, $0x1;
	s6 =	sadd.s32 s21, s4  }
0x9d: {  	[timem:s22], [sflag:s7] =	dma.local [hbm:s6], s5  }
0x9e: {  	_ =	swait.ge [sflag:s7], s5  }
0x9f: {  	s5 =	ssub.s32 $0x0, s5;
	[sflag:s7] =	ssyncset.done $0x0  }
0xa0: {  	[sflag:s7] =	ssyncadd.s32 s5;
	_ =	sdelay $0x1  }
0xa1: {  	s23 =	simm.s32 $0x1B8B  }
0xa2: {  	_ =	swait.ge [sflag:s23], $0x1  }
0xa3: {  	[sflag:s23] =	ssyncset.done $0x0  }
0xa4: {  	[sflag:s23] =	ssyncadd.s32 $0xFFFFFFFF  }
0xa5: {  	s5 =	sld [smem:$0x0]  }
0xa6: {  	s6 =	sand.u32 $0xFFFFFFFE, s1  }
0xa7: {  	p0 =	sne.s32 s1, s6  }
0xa8: {  	s6 =	sshll.u32 @p0 s6, $0xE  }
0xa9: {  	s6 =	sadd.s32 @p0 $0x11B8D, s6;
	s7 =	sshll.u32 @p0 s5, $0x11  }
0xaa: {  	s6 =	sor.u32 @p0 s7, s6  }
0xab: {  	[sflag:s6] =	ssyncadd.remote.s32 @p0 $0x1;
	_ =	sdelay $0x1  }
0xac: {  	s6 =	simm.s32 @p0 $0x1B8D  }
0xad: {  	_ =	swait.eq @p0 [sflag:s6], $0x1  }
0xae: {  	[sflag:s6] =	ssyncadd.s32 @p0 $0xFFFFFFFF  }
0xaf: {  	s7 =	sshll.u32 @!p0 s1, $0xE  }
0xb0: {  	s7 =	sor.u32 @!p0 $0x4000, s7;
	s6 =	simm.s32 @!p0 $0x1B8D  }
0xb1: {  	s5 =	sshll.u32 @!p0 s5, $0x11;
	s7 =	sadd.s32 @!p0 $0x11B8D, s7;
	_ =	swait.eq @!p0 [sflag:s6], $0x1  }
0xb2: {  	s5 =	sor.u32 @!p0 s5, s7;
	[sflag:s6] =	ssyncadd.s32 @!p0 $0xFFFFFFFF  }
0xb3: {  	s25 =	simm.s32 $0x1B8E;
	s24 =	sld [smem:$0x3FFE];
	[sflag:s5] =	ssyncadd.remote.s32 @!p0 $0x1  }
0xb4: {  	s26 =	simm.s32 $execute0_lowered;
	[smem:$0x3FD2] =	sst s25  }
0xb5: {  	s6 =	sshll.u32 s26, $0x1;
	_ =	strace $0x8000004F;
	[dreg:$0x1] =	wrdreg $0xFFFFFFFF  }
0xb6: {  	s28 =	simm.s32 $_size_execute0_lowered;
	s4 =	sadd.s32 s4, s6;
	[dreg:$0x0] =	wrdreg $0x0  }
0xb7: {  	s6 =	sshll.u32 s28, $0x1;
	[dreg:$0x2] =	wrdreg s4  }
0xb8: {  	[dreg:$0x3] =	wrdreg s6  }
0xb9: {  	[dreg:$0x4] =	wrdreg $0xC0  }
0xba: {  	_ =	task [dreg:s22], $0x5FFFF  }
0xbb: {  	[dreg:$0x1] =	wrdreg $0xFFFFFFFF  }
0xbc: {  	[dreg:$0x0] =	wrdreg $0x60  }
0xbd: {  	[dreg:$0x2] =	wrdreg s24  }
0xbe: {  	[dreg:$0x3] =	wrdreg s18  }
0xbf: {  	[dreg:$0x4] =	wrdreg $0x9  }
0xc0: {  	_ =	task.clear_ibuf [dreg:s22], $0x5FFFF;
	_ =	strace $0x9000004F  }
0xc1: {  	s29 =	simm.s32 $0x9;
	_ =	strace $0x80000051  }
0xc2: {  	_ =	swait.ge [sflag:s29], $0x1  }
0xc3: {  	[sflag:s29] =	ssyncadd.s32 $0xFFFFFFFF  }
0xc4: {  	_ =	strace $0x90000051  }
0xc5: {  	_ =	sfence  }
0xc6: {  	s30 =	sld [smem:$0x0];
	_ =	sdelay $0x2  }
0xc7: {  	s31 =	sshll.u32 s1, $0xD;
	s1 =	sshrl.u32 s1, $0x2  }
0xc8: {  	s4 =	sand.u32 $0x4000, s31;
	s1 =	sadd.s32 s1, s30  }
0xc9: {  	s0 =	sor.u32 s4, s0;
	s1 =	sshll.u32 s1, $0x11  }
0xca: {  	s0 =	sor.u32 s1, s0  }
0xcb: {  	s0 =	sadd.s32 $0x8F2B, s0  }
0xcc: {  	[sflag:s0] =	ssyncadd.remote.s32 $0x1  }
0xcd: {  	_ =	sfence.sel $0xFFFF  }
0xce: {  	[dreg:$0x0] =	wrdreg $0xFFFFFFFF;
	(pc) =	sbr.abs _section_cstart, $3  }
0xcf: {  	[dreg:$0x1] =	wrdreg $0xFFFFFFFF  }
0xd0: {  	_ =	task.clear_ibuf [dreg:s22], $0x2FFFF;
	_ =	strace $0x9FFFFFFF  }
0xd1: {  	(tm) =	ssettm $0x7FFFFFFF  }
tec
execute0_lowered:
.L_overlay_start_1:
0x0: {  	(tag) =	ssettag $0x1  }
0x1: {  	s1 =	srdreg.scid;
	s4 =	rddreg [dreg:$0x0]  }
0x2: {  	s0 =	stileid.u32;
	s2 =	rddreg [dreg:$0x1];
	s3 =	simm.s32 $0x0  }
0x3: {  	s12 =	simm.s32 $0x28;
	s13 =	simm.s32 $0x680;
	s14 =	simm.s32 $0x1A80  }
0x4: {  	s15 =	simm.s32 $0x1;
	s16 =	simm.s32 $0x3;
	s17 =	simm.s32 $0x50  }
0x5: {  	s18 =	simm.s32 $0x2;
	s19 =	simm.s32 $0x4;
	s20 =	simm.s32 $0x618  }
0x6: {  	s21 =	simm.s32 $0x0;
	s6 =	sand.u32 $0x1, s1;
	s30 =	sshll.u32 s0, $0x1  }
0x7: {  	s1 =	rddreg [dreg:$0x2];
	s31 =	smul.u32 $0xC800, s0;
	s5 =	sor.u32 s6, s30  }
0x8: {  	[smem:$0x7FF] =	sst s3;
	s8 =	ssub.s32 $0x2, s6;
	s7 =	smul.u32 $0x640, s5  }
0x9: {  	s10 =	sadd.s32 $0x260A00, s4;
	s9 =	sshrl.u32 s8, $0x1;
	s5 =	smul.u32 $0x6400, s5  }
0xa: {  	_ =	strace $0x80000050;
	s11 =	smul.u32 $0x6400, s6;
	s8 =	ssub.s32 s8, s9  }
0xb: {  	s7 =	sshrl.u32 s7, $0x3;
	s5 =	sadd.s32 s10, s5;
	s6 =	smax.u32 s8, $0x1  }
0xc: {  	s10 =	sadd.s32 s31, s10;
	s7 =	sadd.s32 s7, s4;
	s8 =	sadd.s32 $0x5F00, s5  }
0xd: {  	s9 =	sadd.s32 $0x6180, s5;
	s10 =	sadd.s32 s11, s10;
	s11 =	simm.s32 $0x5  }
0xe: {  	s4 =	sadd.s32 $0x25F000, s7;
	s7 =	sadd.s32 $0x280, s5;
	s10 =	sadd.s32 $0x500, s10  }
.LBB2_1:
0xf: {  	[tilespmem:s3], [sflag:$0x5] =	stream.linear.gather [hbm4b:s4+s3], $0x640, $0x38;
	[tilespmem:$0x2E80] =	vst v63  }
0x10: {  	_ =	swait.ge [sflag:s11], $0x640  }
0x11: {  	[sflag:s11] =	ssyncset.done $0x0  }
0x12: {  	[sflag:s11] =	ssyncadd.s32 $0xFFFFF9C0  }
0x13: {  	[tilespmem:s13], [sflag:$0x1] =	stream.indirect.gather [hbm4b:s2+s12], $0x80, s3, s12, $0xb8;
	[tilespmem:$0x2E80] =	vst v63  }
0x14: {  	_ = 	snop  }
0x15: {  	[tilespmem:s14], [sflag:$0x2] =	stream.indirect.gather [hbm4b:s2+s12], $0x80, s12, s12, $0xb8;
	[tilespmem:$0x2E80] =	vst v63  }
0x16: {  	_ =	swait.ge [sflag:s15], $0x1400  }
0x17: {  	[sflag:s15] =	ssyncset.done $0x0  }
0x18: {  	[sflag:s15] =	ssyncadd.s32 $0xFFFFEC00  }
0x19: {  	[hbm4b:s5+s3] =	stream.linear.scatter [tilespmem:s13], [sflag:$0x3], $0x1400, $0x38;
	[tilespmem:$0x2E80] =	vst v63  }
0x1a: {  	_ =	swait.ge [sflag:s16], $0x1400  }
0x1b: {  	[sflag:s16] =	ssyncset.done $0x0  }
0x1c: {  	[sflag:s16] =	ssyncadd.s32 $0xFFFFEC00  }
0x1d: {  	[tilespmem:s13], [sflag:$0x1] =	stream.indirect.gather [hbm4b:s2+s12], $0x80, s17, s12, $0xb8;
	[tilespmem:$0x2E80] =	vst v63  }
0x1e: {  	_ =	swait.ge [sflag:s18], $0x1400  }
0x1f: {  	[sflag:s18] =	ssyncset.done $0x0  }
0x20: {  	[sflag:s18] =	ssyncadd.s32 $0xFFFFEC00  }
0x21: {  	[hbm4b:s7+s3] =	stream.linear.scatter [tilespmem:s14], [sflag:$0x4], $0x1400, $0x38;
	[tilespmem:$0x2E80] =	vst v63  }
0x22: {  	_ =	swait.ge [sflag:s19], $0x1400  }
0x23: {  	[sflag:s19] =	ssyncset.done $0x0  }
0x24: {  	s22 =	simm.s32 $0x78;
	[sflag:s19] =	ssyncadd.s32 $0xFFFFEC00  }
0x25: {  	[tilespmem:s14], [sflag:$0x2] =	stream.indirect.gather [hbm4b:s2+s12], $0x80, s22, s12, $0xb8;
	[tilespmem:$0x2E80] =	vst v63  }
0x26: {  	_ =	swait.ge [sflag:s15], $0x1400  }
0x27: {  	[sflag:s15] =	ssyncset.done $0x0  }
0x28: {  	[sflag:s15] =	ssyncadd.s32 $0xFFFFEC00  }
0x29: {  	[hbm4b:s10+s3] =	stream.linear.scatter [tilespmem:s13], [sflag:$0x3], $0x1400, $0x38;
	[tilespmem:$0x2E80] =	vst v63  }
0x2a: {  	_ =	swait.ge [sflag:s16], $0x1400  }
0x2b: {  	[sflag:s16] =	ssyncset.done $0x0  }
0x2c: {  	s31 =	simm.s32 $0xA0;
	[sflag:s16] =	ssyncadd.s32 $0xFFFFEC00  }
0x2d: {  	[tilespmem:s13], [sflag:$0x1] =	stream.indirect.gather [hbm4b:s2+s12], $0x80, s31, s12, $0xb8;
	[tilespmem:$0x2E80] =	vst v63  }
0x2e: {  	_ =	swait.ge [sflag:s18], $0x1400  }
0x2f: {  	s24 =	sadd.s32 $0x280, s10;
	[sflag:s18] =	ssyncset.done $0x0  }
0x30: {  	s23 =	sadd.s32 $0x500, s10;
	s22 =	simm.s32 $0x140;
	[sflag:s18] =	ssyncadd.s32 $0xFFFFEC00  }
.LBB2_2:
0x31: {  	[hbm4b:s24+s3] =	stream.linear.scatter [tilespmem:s14], [sflag:$0x4], $0x1400, $0x38;
	[tilespmem:$0x2E80] =	vst v63  }
0x32: {  	s24 =	smov.u32 s22  }
0x33: {  	p0 =	sne.s32 s22, $0x1540;
	s22 =	sadd.s32 $0x140, s22;
	_ =	swait.ge [sflag:s19], $0x1400  }
0x34: {  	s24 =	sshra.s32 s24, $0x2;
	[sflag:s19] =	ssyncset.done $0x0  }
0x35: {  	s25 =	sadd.s32 $0x78, s24;
	[sflag:s19] =	ssyncadd.s32 $0xFFFFEC00  }
0x36: {  	[tilespmem:s14], [sflag:$0x2] =	stream.indirect.gather [hbm4b:s2+s12], $0x80, s25, s12, $0xb8;
	[tilespmem:$0x2E80] =	vst v63  }
0x37: {  	_ =	swait.ge [sflag:s15], $0x1400  }
0x38: {  	[sflag:s15] =	ssyncset.done $0x0  }
0x39: {  	[sflag:s15] =	ssyncadd.s32 $0xFFFFEC00  }
0x3a: {  	[hbm4b:s23+s3] =	stream.linear.scatter [tilespmem:s13], [sflag:$0x3], $0x1400, $0x38;
	[tilespmem:$0x2E80] =	vst v63  }
0x3b: {  	_ =	swait.ge [sflag:s16], $0x1400  }
0x3c: {  	[sflag:s16] =	ssyncset.done $0x0  }
.Ltmp0:
0x3d: {  	s24 =	sadd.s32 $0xA0, s24;
	[sflag:s16] =	ssyncadd.s32 $0xFFFFEC00;
	(pc) =	sbr.rel @p0 .LBB2_2-.Ltmp0, $4  }
0x3e: {  	[tilespmem:s13], [sflag:$0x1] =	stream.indirect.gather [hbm4b:s2+s12], $0x80, s24, s12, $0xb8;
	[tilespmem:$0x2E80] =	vst v63  }
0x3f: {  	_ =	swait.ge [sflag:s18], $0x1400  }
0x40: {  	[sflag:s18] =	ssyncset.done $0x0  }
0x41: {  	s24 =	sadd.s32 $0x280, s23;
	s23 =	sadd.s32 $0x500, s23;
	[sflag:s18] =	ssyncadd.s32 $0xFFFFEC00  }
0x42: {  	[hbm4b:s24+s3] =	stream.linear.scatter [tilespmem:s14], [sflag:$0x4], $0x1400, $0x38;
	[tilespmem:$0x2E80] =	vst v63  }
0x43: {  	_ =	swait.ge [sflag:s19], $0x1400  }
0x44: {  	[sflag:s19] =	ssyncset.done $0x0  }
0x45: {  	[sflag:s19] =	ssyncadd.s32 $0xFFFFEC00  }
0x46: {  	[tilespmem:s14], [sflag:$0x2] =	stream.indirect.gather [hbm4b:s2+s12], $0x80, s20, s12, $0xb8;
	[tilespmem:$0x2E80] =	vst v63  }
0x47: {  	_ =	swait.ge [sflag:s15], $0x1400  }
0x48: {  	[sflag:s15] =	ssyncset.done $0x0  }
0x49: {  	[sflag:s15] =	ssyncadd.s32 $0xFFFFEC00  }
0x4a: {  	[hbm4b:s8+s3] =	stream.linear.scatter [tilespmem:s13], [sflag:$0x3], $0x1400, $0x38;
	[tilespmem:$0x2E80] =	vst v63  }
0x4b: {  	_ =	swait.ge [sflag:s18], $0x1400  }
0x4c: {  	[sflag:s18] =	ssyncset.done $0x0  }
0x4d: {  	s21 =	sadd.s32 $0x1, s21;
	[sflag:s18] =	ssyncadd.s32 $0xFFFFEC00  }
0x4e: {  	[hbm4b:s9+s3] =	stream.linear.scatter [tilespmem:s14], [sflag:$0x4], $0x1400, $0x38;
	[tilespmem:$0x2E80] =	vst v63  }
0x4f: {  	p0 =	sne.s32 s21, s6;
	_ =	swait.ge [sflag:s16], $0x1400  }
.Ltmp1:
0x50: {  	[sflag:s16] =	ssyncset.done $0x0;
	(pc) =	sbr.rel @p0 .LBB2_1-.Ltmp1, $4  }
0x51: {  	[sflag:s16] =	ssyncadd.s32 $0xFFFFEC00  }
0x52: {  	_ =	swait.ge [sflag:s19], $0x1400  }
0x53: {  	[sflag:s19] =	ssyncset.done $0x0  }
0x54: {  	[sflag:s19] =	ssyncadd.s32 $0xFFFFEC00  }
0x55: {  	_ =	sfence.sel $0x180000  }
0x56: {  	[bflag:$0x0] =	sbarrier.arrive $0xFFFF  }
0x57: {  	p0 =	sne.s32 s0, $0x0;
	_ =	strace $0x90000050  }
0x58: {  	s0 =	sadd.s32 @!p0 $0x100000, s1;
	[bflag:$0x2] =	sbarrier.arrive $0xFFFF  }
0x59: {  	[sflag:s0] =	ssyncadd.tile.s32 @!p0 $0x1;
	_ =	shalt  }
.Lfunc_end2:
_tile_overlayer_lowered:
.L_overlay_start_2:
0x5a: {  	(tag) =	ssettag $0x2  }
0x5b: {  	s0 =	rddreg [dreg:$0x0];
	s2 =	stileid.u32  }
0x5c: {  	s1 =	rddreg [dreg:$0x1];
	p0 =	sne.s32 s2, $0x0  }
0x5d: {  	s3 =	rddreg [dreg:$0x2];
	[bflag:$0x3] =	sbarrier.arrive $0xFFFF;
	s2 =	simm.s32 @!p0 $0x1C05  }
0x5e: {  	[timem:s3], [sflag:s2] =	dma.local @!p0 [hbm:s0], s1  }
0x5f: {  	s0 =	simm.s32 @!p0 $0x5  }
0x60: {  	_ =	swait.ge @!p0 [sflag:s0], s1  }
0x61: {  	s1 =	ssub.s32 @!p0 $0x0, s1;
	[sflag:s0] =	ssyncset.done @!p0 $0x0  }
0x62: {  	[sflag:s0] =	ssyncadd.s32 @!p0 s1  }
0x63: {  	[bflag:$0x3] =	sbarrier.arrive $0xFFFF  }
0x64: {  	_ =	shalt  }

// kernel: _embed.13.cloned.1.call-start
scs
__scs_entry_jumppad:
0x0: {  	(pc) =	sbr.rel $0x88, $3  }
0x1: {  	(tag) =	ssettag $0x0;
	lr =	simm.s32 $0x1  }
0x2: {  	[smem:$0x3F9A] =	sst lr;
	_ =	strace $0xD0000000  }
0x3: {  	_ = 	snop  }
0x4: {  	_ = 	snop  }
0x5: {  	_ = 	snop  }
0x6: {  	_ = 	snop  }
0x7: {  	_ = 	snop  }
__scs_overlays_trampoline_lowered:
0x8: {  	[smem:$0x3FA9] =	sst s0  }
0x9: {  	[smem:$0x3FAA] =	sst s1  }
0xa: {  	[smem:$0x3FAB] =	sst s2  }
0xb: {  	[smem:$0x3FAC] =	sst s3  }
0xc: {  	[smem:$0x3FAD] =	sst s4  }
0xd: {  	[smem:$0x3FAE] =	sst s5  }
0xe: {  	[smem:$0x3FAF] =	sst s6  }
0xf: {  	[smem:$0x3FB0] =	sst s7  }
0x10: {  	[smem:$0x3FB1] =	sst s8  }
0x11: {  	[smem:$0x3FB2] =	sst s9;
	s0 =	simm.s32 @!p0 $0x0  }
0x12: {  	s1 =	sld [smem:$0x3F98];
	s0 =	simm.s32 @p0 $0x1  }
0x13: {  	[smem:$0x3FB3] =	sst s0;
	s0 =	simm.s32 @!p1 $0x0  }
0x14: {  	s2 =	sld [smem:$0x3F97];
	s0 =	simm.s32 @p1 $0x1  }
0x15: {  	[smem:$0x3FB4] =	sst s0;
	s0 =	simm.s32 @!p2 $0x0  }
0x16: {  	s3 =	sld [smem:$0x3FDB];
	s0 =	simm.s32 @p2 $0x1  }
0x17: {  	s4 =	simm.s32 $0x1BF5;
	[smem:$0x3FB6] =	sst s0  }
0x18: {  	s0 =	sld [smem:$0x3F99];
	_ =	swait.ge [sflag:s4], $0x0  }
0x19: {  	s7 =	sld [smem:$0x3F9A]  }
0x1a: {  	s8 =	sadd.s32 $0xFFFFE003, lr  }
0x1b: {  	s9 =	sadd.s32 $0xFFFFFEF7, lr;
	s5 =	simm.s32 $0xFFFFFFFF;
	p2 =	slt.u32 s8, $0xFFFFF086  }
0x1c: {  	p1 =	slt.u32 s9, $0xF7A;
	s5 =	simm.s32 @!p2 $0x0  }
0x1d: {  	s5 =	simm.s32 @p1 $0x1;
	p0 =	seq.s32 s7, s2  }
0x1e: {  	s7 =	smul.u32 @!p0 $0xF7A, s2;
	p2 =	seq.s32 @!p0 s5, $0x0  }
0x1f: {  	s9 =	smul.u32 $0xF7A, s1;
	s8 =	simm.s32 @!p0 $0x1BF5;
	p2 =	por !p2, p0  }
0x20: {  	[sflag:s8] =	ssyncset.s32 @!p0 $0xFFFFF086;
	s6 =	sadd.s32 @!p0 s3, s7;
	s7 =	simm.s32 @!p0 $0x108  }
0x21: {  	s3 =	sadd.s32 s3, s9;
	s6 =	sadd.s32 @!p0 $0x88, s6;
	s7 =	simm.s32 @p2 $0x1082  }
0x22: {  	[simem:s7], [sflag:s8] =	dma.local @!p0 [hbm:s6], $0xF7A  }
0x23: {  	s9 =	sor.u32 $0xD0000000, s2;
	s6 =	simm.s32 $0x108;
	_ =	swait.ge @!p0 [sflag:s8], $0x0  }
0x24: {  	s3 =	sadd.s32 $0x88, s3;
	s6 =	simm.s32 @!p1 $0x1082;
	[sflag:s4] =	ssyncset.s32 $0xFFFFF086  }
0x25: {  	[simem:s6], [sflag:s4] =	dma.local [hbm:s3], $0xF7A  }
0x26: {  	[smem:$0x3F9A] =	sst s1;
	(tag) =	ssettag s2;
	_ =	strace s9  }
0x27: {  	s1 =	sld [smem:$0x3FAA]  }
0x28: {  	s2 =	sld [smem:$0x3FAB]  }
0x29: {  	s4 =	sld [smem:$0x3FAD]  }
0x2a: {  	p0 =	seq.s32 s5, $0x0;
	s5 =	sld [smem:$0x3FAE]  }
0x2b: {  	s6 =	sld [smem:$0x3FAF]  }
0x2c: {  	s7 =	sld [smem:$0x3FB0]  }
0x2d: {  	s3 =	simm.s32 $0x108;
	s8 =	sld [smem:$0x3FB1]  }
0x2e: {  	s3 =	simm.s32 @!p0 $0x1082;
	s9 =	sld [smem:$0x3FB2]  }
0x2f: {  	lr =	sadd.s32 s0, s3;
	s0 =	sld [smem:$0x3FA9]  }
0x30: {  	s3 =	sld [smem:$0x3FAC]  }
0x31: {  	[smem:$0x3FB5] =	sst s10  }
0x32: {  	s10 =	sld [smem:$0x3FB3];
	_ =	sdelay $0x3  }
0x33: {  	p0 =	seq.s32 s10, $0x1;
	s10 =	sld [smem:$0x3FB5];
	_ =	sdelay $0x3  }
0x34: {  	[smem:$0x3FB5] =	sst s10  }
0x35: {  	s10 =	sld [smem:$0x3FB4];
	_ =	sdelay $0x3  }
0x36: {  	p1 =	seq.s32 s10, $0x1;
	s10 =	sld [smem:$0x3FB5];
	_ =	sdelay $0x3  }
0x37: {  	[smem:$0x3FB5] =	sst s10  }
0x38: {  	s10 =	sld [smem:$0x3FB6]  }
0x39: {  	_ = 	snop;
	(pc) =	sbr.ind lr, $3  }
0x3a: {  	_ = 	snop  }
0x3b: {  	_ = 	snop  }
0x3c: {  	p2 =	seq.s32 s10, $0x1;
	s10 =	sld [smem:$0x3FB5]  }
0x3d: {  	_ =	shalt  }
0x3e: {  	_ =	shalt  }
0x3f: {  	_ =	shalt  }
0x40: {  	_ =	shalt  }
0x41: {  	_ =	shalt  }
0x42: {  	_ =	shalt  }
0x43: {  	_ =	shalt  }
0x44: {  	_ =	shalt  }
0x45: {  	_ =	shalt  }
0x46: {  	_ =	shalt  }
0x47: {  	_ =	shalt  }
0x48: {  	_ =	shalt  }
0x49: {  	_ =	shalt  }
0x4a: {  	_ =	shalt  }
0x4b: {  	_ =	shalt  }
0x4c: {  	_ =	shalt  }
0x4d: {  	_ =	shalt  }
0x4e: {  	_ =	shalt  }
0x4f: {  	_ =	shalt  }
0x50: {  	_ =	shalt  }
0x51: {  	_ =	shalt  }
0x52: {  	_ =	shalt  }
0x53: {  	_ =	shalt  }
0x54: {  	_ =	shalt  }
0x55: {  	_ =	shalt  }
0x56: {  	_ =	shalt  }
0x57: {  	_ =	shalt  }
0x58: {  	_ =	shalt  }
0x59: {  	_ =	shalt  }
0x5a: {  	_ =	shalt  }
0x5b: {  	_ =	shalt  }
0x5c: {  	_ =	shalt  }
0x5d: {  	_ =	shalt  }
0x5e: {  	_ =	shalt  }
0x5f: {  	_ =	shalt  }
0x60: {  	_ =	shalt  }
0x61: {  	_ =	shalt  }
0x62: {  	_ =	shalt  }
0x63: {  	_ =	shalt  }
0x64: {  	_ =	shalt  }
0x65: {  	_ =	shalt  }
0x66: {  	_ =	shalt  }
0x67: {  	_ =	shalt  }
0x68: {  	_ =	shalt  }
0x69: {  	_ =	shalt  }
0x6a: {  	_ =	shalt  }
0x6b: {  	_ =	shalt  }
0x6c: {  	_ =	shalt  }
0x6d: {  	_ =	shalt  }
0x6e: {  	_ =	shalt  }
0x6f: {  	_ =	shalt  }
0x70: {  	_ =	shalt  }
0x71: {  	_ =	shalt  }
0x72: {  	_ =	shalt  }
0x73: {  	_ =	shalt  }
0x74: {  	_ =	shalt  }
0x75: {  	_ =	shalt  }
0x76: {  	_ =	shalt  }
0x77: {  	_ =	shalt  }
0x78: {  	_ =	shalt  }
0x79: {  	_ =	shalt  }
0x7a: {  	_ =	shalt  }
0x7b: {  	_ =	shalt  }
0x7c: {  	_ =	shalt  }
0x7d: {  	_ =	shalt  }
0x7e: {  	_ =	shalt  }
0x7f: {  	_ =	shalt  }
0x80: {  	_ =	shalt  }
0x81: {  	_ =	shalt  }
0x82: {  	_ =	shalt  }
0x83: {  	_ =	shalt  }
0x84: {  	_ =	shalt  }
0x85: {  	_ =	shalt  }
0x86: {  	_ =	shalt  }
0x87: {  	_ =	shalt  }
.Lfunc_end0:
.L_simem_size_0:
called_computation.1_lowered:
.L_overlay_start_0:
0x88: {  	s2 =	sld [smem:$0x3FD9]  }
0x89: {  	s3 =	sld [smem:$0x3FFE];
	_ =	sdelay $0x1  }
0x8a: {  	s1 =	srdreg.scid  }
0x8b: {  	s0 =	sand.u32 $0x1, s1  }
0x8c: {  	s17 =	sshll.u32 s0, $0xA;
	s2 =	sadd.s32 s3, s2  }
0x8d: {  	s2 =	sadd.s32 s2, s17  }
0x8e: {  	[smem:$0x3FC1] =	sst s2  }
0x8f: {  	_ = 	snop  }
0x90: {  	s2 =	sld [smem:$0x3FC7]  }
0x91: {  	s18 =	sld [smem:$0x3FD0];
	(tm) =	ssettm $0x1  }
0x92: {  	s4 =	sld [smem:$0x3FFB];
	_ =	sdelay $0x3  }
0x93: {  	_ =	strace s4  }
0x94: {  	s4 =	sld [smem:$0x3FFC];
	_ =	sdelay $0x3  }
0x95: {  	_ =	strace s4  }
0x96: {  	s4 =	sld [smem:$0x3FFD];
	_ =	sdelay $0x3  }
0x97: {  	_ =	strace s4  }
0x98: {  	_ =	strace $0x8FFFFFFF  }
0x99: {  	s19 =	sld [smem:$0x3FDB];
	_ =	sdelay $0x1  }
0x9a: {  	s5 =	simm.s32 $_scs_section_size  }
0x9b: {  	s6 =	simm.s32 $_size__tile_overlayer_lowered;
	s7 =	simm.s32 $_tile_overlayer_lowered  }
0x9c: {  	s22 =	simm.s32 $0x1BFF;
	s21 =	sshll.u32 s7, $0x1;
	s4 =	sadd.s32 s5, s19  }
0x9d: {  	s8 =	simm.s32 $0x0;
	s20 =	sshll.u32 s6, $0x1;
	s6 =	sadd.s32 s21, s4  }
0x9e: {  	[timem:s8], [sflag:s22] =	dma.local [hbm:s6], s20  }
0x9f: {  	_ =	swait.ge [sflag:s22], s20  }
0xa0: {  	s5 =	ssub.s32 $0x0, s20;
	[sflag:s22] =	ssyncset.done $0x0  }
0xa1: {  	[sflag:s22] =	ssyncadd.s32 s5;
	_ =	sdelay $0x1  }
0xa2: {  	s23 =	simm.s32 $0x1B8B  }
0xa3: {  	_ =	swait.ge [sflag:s23], $0x1  }
0xa4: {  	[sflag:s23] =	ssyncset.done $0x0  }
0xa5: {  	s25 =	simm.s32 $0x1B8E;
	s24 =	sld [smem:$0x3FFE];
	[sflag:s23] =	ssyncadd.s32 $0xFFFFFFFF  }
0xa6: {  	s26 =	simm.s32 $execute0_lowered;
	[smem:$0x3FD2] =	sst s25  }
0xa7: {  	s6 =	sshll.u32 s26, $0x1;
	_ =	strace $0x80000046;
	[dreg:$0x1] =	wrdreg $0xFFFFFFFF  }
0xa8: {  	s28 =	simm.s32 $_size_execute0_lowered;
	s4 =	sadd.s32 s4, s6;
	[dreg:$0x0] =	wrdreg $0x0  }
0xa9: {  	s6 =	sshll.u32 s28, $0x1;
	[dreg:$0x2] =	wrdreg s4  }
0xaa: {  	[dreg:$0x3] =	wrdreg s6  }
0xab: {  	[dreg:$0x4] =	wrdreg $0xC0  }
0xac: {  	_ =	task [dreg:s8], $0x5FFFF  }
0xad: {  	[dreg:$0x1] =	wrdreg $0xFFFFFFFF  }
0xae: {  	[dreg:$0x0] =	wrdreg $0x60  }
0xaf: {  	[dreg:$0x2] =	wrdreg s18  }
0xb0: {  	[dreg:$0x3] =	wrdreg s2  }
0xb1: {  	[dreg:$0x4] =	wrdreg s24  }
0xb2: {  	[dreg:$0x5] =	wrdreg $0xA  }
0xb3: {  	_ =	task.clear_ibuf [dreg:s8], $0x6FFFF;
	_ =	strace $0x90000046  }
0xb4: {  	s29 =	simm.s32 $0xA;
	_ =	strace $0x80000048  }
0xb5: {  	_ =	swait.ge [sflag:s29], $0x1  }
0xb6: {  	[sflag:s29] =	ssyncadd.s32 $0xFFFFFFFF  }
0xb7: {  	_ =	strace $0x90000048  }
0xb8: {  	_ =	sfence  }
0xb9: {  	s30 =	sld [smem:$0x0];
	_ =	sdelay $0x2  }
0xba: {  	s31 =	sshll.u32 s1, $0xD;
	s1 =	sshrl.u32 s1, $0x2  }
0xbb: {  	s3 =	sand.u32 $0x4000, s31;
	s1 =	sadd.s32 s1, s30  }
0xbc: {  	s0 =	sor.u32 s3, s0;
	s1 =	sshll.u32 s1, $0x11  }
0xbd: {  	s0 =	sor.u32 s1, s0  }
0xbe: {  	s0 =	sadd.s32 $0x8F2B, s0  }
0xbf: {  	[sflag:s0] =	ssyncadd.remote.s32 $0x1  }
0xc0: {  	_ =	sfence.sel $0xFFFF  }
0xc1: {  	[dreg:$0x0] =	wrdreg $0xFFFFFFFF;
	(pc) =	sbr.abs _section_cstart, $3  }
0xc2: {  	[dreg:$0x1] =	wrdreg $0xFFFFFFFF  }
0xc3: {  	_ =	task.clear_ibuf [dreg:s8], $0x2FFFF;
	_ =	strace $0x9FFFFFFF  }
0xc4: {  	(tm) =	ssettm $0x7FFFFFFF  }
0xc5: {  	_ =	shalt  }
tec
execute0_lowered:
.L_overlay_start_1:
0x0: {  	(tag) =	ssettag $0x1  }
0x1: {  	s4 =	rddreg [dreg:$0x0]  }
0x2: {  	s2 =	rddreg [dreg:$0x1]  }
0x3: {  	s5 =	rddreg [dreg:$0x2]  }
0x4: {  	s0 =	rddreg [dreg:$0x3];
	s6 =	srdreg.scid  }
0x5: {  	s1 =	stileid.u32;
	s3 =	simm.s32 $0x0;
	s12 =	simm.s32 $0x28  }
0x6: {  	s13 =	simm.s32 $0x680;
	s14 =	simm.s32 $0x1A80;
	s15 =	simm.s32 $0x1  }
0x7: {  	s16 =	simm.s32 $0x3;
	s17 =	simm.s32 $0x50;
	s18 =	simm.s32 $0x2  }
0x8: {  	s19 =	simm.s32 $0x4;
	s6 =	sand.u32 $0x1, s6;
	s7 =	sshll.u32 s1, $0x1  }
0x9: {  	s20 =	simm.s32 $0x618;
	s31 =	smul.u32 $0xC800, s1;
	s7 =	sor.u32 s6, s7  }
0xa: {  	s21 =	simm.s32 $0x0;
	[smem:$0x7FF] =	sst s3;
	s9 =	smul.u32 $0x640, s7  }
0xb: {  	s10 =	sadd.s32 $0x7000, s5;
	s8 =	ssub.s32 $0x2, s6;
	s7 =	smul.u32 $0x6400, s7  }
0xc: {  	_ =	strace $0x80000047;
	s11 =	smul.u32 $0x6400, s6;
	s29 =	sshrl.u32 s8, $0x1  }
0xd: {  	s8 =	ssub.s32 s8, s29;
	s30 =	sshrl.u32 s9, $0x3;
	s5 =	sadd.s32 s10, s7  }
0xe: {  	s6 =	smax.u32 s8, $0x1;
	s10 =	sadd.s32 s31, s10;
	s4 =	sadd.s32 s4, s30  }
0xf: {  	s7 =	sadd.s32 $0x280, s5;
	s8 =	sadd.s32 $0x5F00, s5;
	s10 =	sadd.s32 s11, s10  }
0x10: {  	s9 =	sadd.s32 $0x6180, s5;
	s11 =	simm.s32 $0x5;
	s10 =	sadd.s32 $0x500, s10  }
.LBB2_1:
0x11: {  	[tilespmem:s3], [sflag:$0x5] =	stream.linear.gather [hbm4b:s4+s3], $0x640, $0x38;
	[tilespmem:$0x2E80] =	vst v63  }
0x12: {  	_ =	swait.ge [sflag:s11], $0x640  }
0x13: {  	[sflag:s11] =	ssyncset.done $0x0  }
0x14: {  	[sflag:s11] =	ssyncadd.s32 $0xFFFFF9C0  }
0x15: {  	[tilespmem:s13], [sflag:$0x1] =	stream.indirect.gather [hbm4b:s2+s12], $0x80, s3, s12, $0xb8;
	[tilespmem:$0x2E80] =	vst v63  }
0x16: {  	_ = 	snop  }
0x17: {  	[tilespmem:s14], [sflag:$0x2] =	stream.indirect.gather [hbm4b:s2+s12], $0x80, s12, s12, $0xb8;
	[tilespmem:$0x2E80] =	vst v63  }
0x18: {  	_ =	swait.ge [sflag:s15], $0x1400  }
0x19: {  	[sflag:s15] =	ssyncset.done $0x0  }
0x1a: {  	[sflag:s15] =	ssyncadd.s32 $0xFFFFEC00  }
0x1b: {  	[hbm4b:s5+s3] =	stream.linear.scatter [tilespmem:s13], [sflag:$0x3], $0x1400, $0x38;
	[tilespmem:$0x2E80] =	vst v63  }
0x1c: {  	_ =	swait.ge [sflag:s16], $0x1400  }
0x1d: {  	[sflag:s16] =	ssyncset.done $0x0  }
0x1e: {  	[sflag:s16] =	ssyncadd.s32 $0xFFFFEC00  }
0x1f: {  	[tilespmem:s13], [sflag:$0x1] =	stream.indirect.gather [hbm4b:s2+s12], $0x80, s17, s12, $0xb8;
	[tilespmem:$0x2E80] =	vst v63  }
0x20: {  	_ =	swait.ge [sflag:s18], $0x1400  }
0x21: {  	[sflag:s18] =	ssyncset.done $0x0  }
0x22: {  	[sflag:s18] =	ssyncadd.s32 $0xFFFFEC00  }
0x23: {  	[hbm4b:s7+s3] =	stream.linear.scatter [tilespmem:s14], [sflag:$0x4], $0x1400, $0x38;
	[tilespmem:$0x2E80] =	vst v63  }
0x24: {  	_ =	swait.ge [sflag:s19], $0x1400  }
0x25: {  	[sflag:s19] =	ssyncset.done $0x0  }
0x26: {  	s22 =	simm.s32 $0x78;
	[sflag:s19] =	ssyncadd.s32 $0xFFFFEC00  }
0x27: {  	[tilespmem:s14], [sflag:$0x2] =	stream.indirect.gather [hbm4b:s2+s12], $0x80, s22, s12, $0xb8;
	[tilespmem:$0x2E80] =	vst v63  }
0x28: {  	_ =	swait.ge [sflag:s15], $0x1400  }
0x29: {  	[sflag:s15] =	ssyncset.done $0x0  }
0x2a: {  	[sflag:s15] =	ssyncadd.s32 $0xFFFFEC00  }
0x2b: {  	[hbm4b:s10+s3] =	stream.linear.scatter [tilespmem:s13], [sflag:$0x3], $0x1400, $0x38;
	[tilespmem:$0x2E80] =	vst v63  }
0x2c: {  	_ =	swait.ge [sflag:s16], $0x1400  }
0x2d: {  	[sflag:s16] =	ssyncset.done $0x0  }
0x2e: {  	s31 =	simm.s32 $0xA0;
	[sflag:s16] =	ssyncadd.s32 $0xFFFFEC00  }
0x2f: {  	[tilespmem:s13], [sflag:$0x1] =	stream.indirect.gather [hbm4b:s2+s12], $0x80, s31, s12, $0xb8;
	[tilespmem:$0x2E80] =	vst v63  }
0x30: {  	_ =	swait.ge [sflag:s18], $0x1400  }
0x31: {  	s24 =	sadd.s32 $0x280, s10;
	[sflag:s18] =	ssyncset.done $0x0  }
0x32: {  	s23 =	sadd.s32 $0x500, s10;
	s22 =	simm.s32 $0x140;
	[sflag:s18] =	ssyncadd.s32 $0xFFFFEC00  }
.LBB2_2:
0x33: {  	[hbm4b:s24+s3] =	stream.linear.scatter [tilespmem:s14], [sflag:$0x4], $0x1400, $0x38;
	[tilespmem:$0x2E80] =	vst v63  }
0x34: {  	s24 =	smov.u32 s22  }
0x35: {  	p0 =	sne.s32 s22, $0x1540;
	s22 =	sadd.s32 $0x140, s22;
	_ =	swait.ge [sflag:s19], $0x1400  }
0x36: {  	s24 =	sshra.s32 s24, $0x2;
	[sflag:s19] =	ssyncset.done $0x0  }
0x37: {  	s25 =	sadd.s32 $0x78, s24;
	[sflag:s19] =	ssyncadd.s32 $0xFFFFEC00  }
0x38: {  	[tilespmem:s14], [sflag:$0x2] =	stream.indirect.gather [hbm4b:s2+s12], $0x80, s25, s12, $0xb8;
	[tilespmem:$0x2E80] =	vst v63  }
0x39: {  	_ =	swait.ge [sflag:s15], $0x1400  }
0x3a: {  	[sflag:s15] =	ssyncset.done $0x0  }
0x3b: {  	[sflag:s15] =	ssyncadd.s32 $0xFFFFEC00  }
0x3c: {  	[hbm4b:s23+s3] =	stream.linear.scatter [tilespmem:s13], [sflag:$0x3], $0x1400, $0x38;
	[tilespmem:$0x2E80] =	vst v63  }
0x3d: {  	_ =	swait.ge [sflag:s16], $0x1400  }
0x3e: {  	[sflag:s16] =	ssyncset.done $0x0  }
.Ltmp0:
0x3f: {  	s24 =	sadd.s32 $0xA0, s24;
	[sflag:s16] =	ssyncadd.s32 $0xFFFFEC00;
	(pc) =	sbr.rel @p0 .LBB2_2-.Ltmp0, $4  }
0x40: {  	[tilespmem:s13], [sflag:$0x1] =	stream.indirect.gather [hbm4b:s2+s12], $0x80, s24, s12, $0xb8;
	[tilespmem:$0x2E80] =	vst v63  }
0x41: {  	_ =	swait.ge [sflag:s18], $0x1400  }
0x42: {  	[sflag:s18] =	ssyncset.done $0x0  }
0x43: {  	s24 =	sadd.s32 $0x280, s23;
	s23 =	sadd.s32 $0x500, s23;
	[sflag:s18] =	ssyncadd.s32 $0xFFFFEC00  }
0x44: {  	[hbm4b:s24+s3] =	stream.linear.scatter [tilespmem:s14], [sflag:$0x4], $0x1400, $0x38;
	[tilespmem:$0x2E80] =	vst v63  }
0x45: {  	_ =	swait.ge [sflag:s19], $0x1400  }
0x46: {  	[sflag:s19] =	ssyncset.done $0x0  }
0x47: {  	[sflag:s19] =	ssyncadd.s32 $0xFFFFEC00  }
0x48: {  	[tilespmem:s14], [sflag:$0x2] =	stream.indirect.gather [hbm4b:s2+s12], $0x80, s20, s12, $0xb8;
	[tilespmem:$0x2E80] =	vst v63  }
0x49: {  	_ =	swait.ge [sflag:s15], $0x1400  }
0x4a: {  	[sflag:s15] =	ssyncset.done $0x0  }
0x4b: {  	[sflag:s15] =	ssyncadd.s32 $0xFFFFEC00  }
0x4c: {  	[hbm4b:s8+s3] =	stream.linear.scatter [tilespmem:s13], [sflag:$0x3], $0x1400, $0x38;
	[tilespmem:$0x2E80] =	vst v63  }
0x4d: {  	_ =	swait.ge [sflag:s18], $0x1400  }
0x4e: {  	[sflag:s18] =	ssyncset.done $0x0  }
0x4f: {  	s21 =	sadd.s32 $0x1, s21;
	[sflag:s18] =	ssyncadd.s32 $0xFFFFEC00  }
0x50: {  	[hbm4b:s9+s3] =	stream.linear.scatter [tilespmem:s14], [sflag:$0x4], $0x1400, $0x38;
	[tilespmem:$0x2E80] =	vst v63  }
0x51: {  	p0 =	sne.s32 s21, s6;
	_ =	swait.ge [sflag:s16], $0x1400  }
.Ltmp1:
0x52: {  	[sflag:s16] =	ssyncset.done $0x0;
	(pc) =	sbr.rel @p0 .LBB2_1-.Ltmp1, $4  }
0x53: {  	[sflag:s16] =	ssyncadd.s32 $0xFFFFEC00  }
0x54: {  	_ =	swait.ge [sflag:s19], $0x1400  }
0x55: {  	[sflag:s19] =	ssyncset.done $0x0  }
0x56: {  	[sflag:s19] =	ssyncadd.s32 $0xFFFFEC00  }
0x57: {  	_ =	sfence.sel $0x180000  }
0x58: {  	[bflag:$0x0] =	sbarrier.arrive $0xFFFF  }
0x59: {  	p0 =	sne.s32 s1, $0x0;
	_ =	strace $0x90000047  }
0x5a: {  	s0 =	sadd.s32 @!p0 $0x100000, s0;
	[bflag:$0x2] =	sbarrier.arrive $0xFFFF  }
0x5b: {  	[sflag:s0] =	ssyncadd.tile.s32 @!p0 $0x1;
	_ =	shalt  }
.Lfunc_end2:
_tile_overlayer_lowered:
.L_overlay_start_2:
0x5c: {  	(tag) =	ssettag $0x2  }
0x5d: {  	s0 =	rddreg [dreg:$0x0];
	s2 =	stileid.u32  }
0x5e: {  	s1 =	rddreg [dreg:$0x1];
	p0 =	sne.s32 s2, $0x0  }
0x5f: {  	s3 =	rddreg [dreg:$0x2];
	[bflag:$0x3] =	sbarrier.arrive $0xFFFF;
	s2 =	simm.s32 @!p0 $0x1C05  }
0x60: {  	[timem:s3], [sflag:s2] =	dma.local @!p0 [hbm:s0], s1  }
0x61: {  	s0 =	simm.s32 @!p0 $0x5  }
0x62: {  	_ =	swait.ge @!p0 [sflag:s0], s1  }
0x63: {  	s1 =	ssub.s32 @!p0 $0x0, s1;
	[sflag:s0] =	ssyncset.done @!p0 $0x0  }
0x64: {  	[sflag:s0] =	ssyncadd.s32 @!p0 s1  }
0x65: {  	[bflag:$0x3] =	sbarrier.arrive $0xFFFF  }
0x66: {  	_ =	shalt  }

// kernel: _embed.16.cloned.1.call-start
scs
__scs_entry_jumppad:
0x0: {  	(pc) =	sbr.rel $0x88, $3  }
0x1: {  	(tag) =	ssettag $0x0;
	lr =	simm.s32 $0x1  }
0x2: {  	[smem:$0x3F9A] =	sst lr;
	_ =	strace $0xD0000000  }
0x3: {  	_ = 	snop  }
0x4: {  	_ = 	snop  }
0x5: {  	_ = 	snop  }
0x6: {  	_ = 	snop  }
0x7: {  	_ = 	snop  }
__scs_overlays_trampoline_lowered:
0x8: {  	[smem:$0x3FA9] =	sst s0  }
0x9: {  	[smem:$0x3FAA] =	sst s1  }
0xa: {  	[smem:$0x3FAB] =	sst s2  }
0xb: {  	[smem:$0x3FAC] =	sst s3  }
0xc: {  	[smem:$0x3FAD] =	sst s4  }
0xd: {  	[smem:$0x3FAE] =	sst s5  }
0xe: {  	[smem:$0x3FAF] =	sst s6  }
0xf: {  	[smem:$0x3FB0] =	sst s7  }
0x10: {  	[smem:$0x3FB1] =	sst s8  }
0x11: {  	[smem:$0x3FB2] =	sst s9;
	s0 =	simm.s32 @!p0 $0x0  }
0x12: {  	s1 =	sld [smem:$0x3F98];
	s0 =	simm.s32 @p0 $0x1  }
0x13: {  	[smem:$0x3FB3] =	sst s0;
	s0 =	simm.s32 @!p1 $0x0  }
0x14: {  	s2 =	sld [smem:$0x3F97];
	s0 =	simm.s32 @p1 $0x1  }
0x15: {  	[smem:$0x3FB4] =	sst s0;
	s0 =	simm.s32 @!p2 $0x0  }
0x16: {  	s3 =	sld [smem:$0x3FDB];
	s0 =	simm.s32 @p2 $0x1  }
0x17: {  	s4 =	simm.s32 $0x1BF5;
	[smem:$0x3FB6] =	sst s0  }
0x18: {  	s0 =	sld [smem:$0x3F99];
	_ =	swait.ge [sflag:s4], $0x0  }
0x19: {  	s7 =	sld [smem:$0x3F9A]  }
0x1a: {  	s8 =	sadd.s32 $0xFFFFE003, lr  }
0x1b: {  	s9 =	sadd.s32 $0xFFFFFEF7, lr;
	s5 =	simm.s32 $0xFFFFFFFF;
	p2 =	slt.u32 s8, $0xFFFFF086  }
0x1c: {  	p1 =	slt.u32 s9, $0xF7A;
	s5 =	simm.s32 @!p2 $0x0  }
0x1d: {  	s5 =	simm.s32 @p1 $0x1;
	p0 =	seq.s32 s7, s2  }
0x1e: {  	s7 =	smul.u32 @!p0 $0xF7A, s2;
	p2 =	seq.s32 @!p0 s5, $0x0  }
0x1f: {  	s9 =	smul.u32 $0xF7A, s1;
	s8 =	simm.s32 @!p0 $0x1BF5;
	p2 =	por !p2, p0  }
0x20: {  	[sflag:s8] =	ssyncset.s32 @!p0 $0xFFFFF086;
	s6 =	sadd.s32 @!p0 s3, s7;
	s7 =	simm.s32 @!p0 $0x108  }
0x21: {  	s3 =	sadd.s32 s3, s9;
	s6 =	sadd.s32 @!p0 $0x88, s6;
	s7 =	simm.s32 @p2 $0x1082  }
0x22: {  	[simem:s7], [sflag:s8] =	dma.local @!p0 [hbm:s6], $0xF7A  }
0x23: {  	s9 =	sor.u32 $0xD0000000, s2;
	s6 =	simm.s32 $0x108;
	_ =	swait.ge @!p0 [sflag:s8], $0x0  }
0x24: {  	s3 =	sadd.s32 $0x88, s3;
	s6 =	simm.s32 @!p1 $0x1082;
	[sflag:s4] =	ssyncset.s32 $0xFFFFF086  }
0x25: {  	[simem:s6], [sflag:s4] =	dma.local [hbm:s3], $0xF7A  }
0x26: {  	[smem:$0x3F9A] =	sst s1;
	(tag) =	ssettag s2;
	_ =	strace s9  }
0x27: {  	s1 =	sld [smem:$0x3FAA]  }
0x28: {  	s2 =	sld [smem:$0x3FAB]  }
0x29: {  	s4 =	sld [smem:$0x3FAD]  }
0x2a: {  	p0 =	seq.s32 s5, $0x0;
	s5 =	sld [smem:$0x3FAE]  }
0x2b: {  	s6 =	sld [smem:$0x3FAF]  }
0x2c: {  	s7 =	sld [smem:$0x3FB0]  }
0x2d: {  	s3 =	simm.s32 $0x108;
	s8 =	sld [smem:$0x3FB1]  }
0x2e: {  	s3 =	simm.s32 @!p0 $0x1082;
	s9 =	sld [smem:$0x3FB2]  }
0x2f: {  	lr =	sadd.s32 s0, s3;
	s0 =	sld [smem:$0x3FA9]  }
0x30: {  	s3 =	sld [smem:$0x3FAC]  }
0x31: {  	[smem:$0x3FB5] =	sst s10  }
0x32: {  	s10 =	sld [smem:$0x3FB3];
	_ =	sdelay $0x3  }
0x33: {  	p0 =	seq.s32 s10, $0x1;
	s10 =	sld [smem:$0x3FB5];
	_ =	sdelay $0x3  }
0x34: {  	[smem:$0x3FB5] =	sst s10  }
0x35: {  	s10 =	sld [smem:$0x3FB4];
	_ =	sdelay $0x3  }
0x36: {  	p1 =	seq.s32 s10, $0x1;
	s10 =	sld [smem:$0x3FB5];
	_ =	sdelay $0x3  }
0x37: {  	[smem:$0x3FB5] =	sst s10  }
0x38: {  	s10 =	sld [smem:$0x3FB6]  }
0x39: {  	_ = 	snop;
	(pc) =	sbr.ind lr, $3  }
0x3a: {  	_ = 	snop  }
0x3b: {  	_ = 	snop  }
0x3c: {  	p2 =	seq.s32 s10, $0x1;
	s10 =	sld [smem:$0x3FB5]  }
0x3d: {  	_ =	shalt  }
0x3e: {  	_ =	shalt  }
0x3f: {  	_ =	shalt  }
0x40: {  	_ =	shalt  }
0x41: {  	_ =	shalt  }
0x42: {  	_ =	shalt  }
0x43: {  	_ =	shalt  }
0x44: {  	_ =	shalt  }
0x45: {  	_ =	shalt  }
0x46: {  	_ =	shalt  }
0x47: {  	_ =	shalt  }
0x48: {  	_ =	shalt  }
0x49: {  	_ =	shalt  }
0x4a: {  	_ =	shalt  }
0x4b: {  	_ =	shalt  }
0x4c: {  	_ =	shalt  }
0x4d: {  	_ =	shalt  }
0x4e: {  	_ =	shalt  }
0x4f: {  	_ =	shalt  }
0x50: {  	_ =	shalt  }
0x51: {  	_ =	shalt  }
0x52: {  	_ =	shalt  }
0x53: {  	_ =	shalt  }
0x54: {  	_ =	shalt  }
0x55: {  	_ =	shalt  }
0x56: {  	_ =	shalt  }
0x57: {  	_ =	shalt  }
0x58: {  	_ =	shalt  }
0x59: {  	_ =	shalt  }
0x5a: {  	_ =	shalt  }
0x5b: {  	_ =	shalt  }
0x5c: {  	_ =	shalt  }
0x5d: {  	_ =	shalt  }
0x5e: {  	_ =	shalt  }
0x5f: {  	_ =	shalt  }
0x60: {  	_ =	shalt  }
0x61: {  	_ =	shalt  }
0x62: {  	_ =	shalt  }
0x63: {  	_ =	shalt  }
0x64: {  	_ =	shalt  }
0x65: {  	_ =	shalt  }
0x66: {  	_ =	shalt  }
0x67: {  	_ =	shalt  }
0x68: {  	_ =	shalt  }
0x69: {  	_ =	shalt  }
0x6a: {  	_ =	shalt  }
0x6b: {  	_ =	shalt  }
0x6c: {  	_ =	shalt  }
0x6d: {  	_ =	shalt  }
0x6e: {  	_ =	shalt  }
0x6f: {  	_ =	shalt  }
0x70: {  	_ =	shalt  }
0x71: {  	_ =	shalt  }
0x72: {  	_ =	shalt  }
0x73: {  	_ =	shalt  }
0x74: {  	_ =	shalt  }
0x75: {  	_ =	shalt  }
0x76: {  	_ =	shalt  }
0x77: {  	_ =	shalt  }
0x78: {  	_ =	shalt  }
0x79: {  	_ =	shalt  }
0x7a: {  	_ =	shalt  }
0x7b: {  	_ =	shalt  }
0x7c: {  	_ =	shalt  }
0x7d: {  	_ =	shalt  }
0x7e: {  	_ =	shalt  }
0x7f: {  	_ =	shalt  }
0x80: {  	_ =	shalt  }
0x81: {  	_ =	shalt  }
0x82: {  	_ =	shalt  }
0x83: {  	_ =	shalt  }
0x84: {  	_ =	shalt  }
0x85: {  	_ =	shalt  }
0x86: {  	_ =	shalt  }
0x87: {  	_ =	shalt  }
.Lfunc_end0:
.L_simem_size_0:
called_computation.2_lowered:
.L_overlay_start_0:
0x88: {  	s2 =	sld [smem:$0x3FD9]  }
0x89: {  	s3 =	sld [smem:$0x3FFE];
	_ =	sdelay $0x1  }
0x8a: {  	s1 =	srdreg.scid  }
0x8b: {  	s0 =	sand.u32 $0x1, s1  }
0x8c: {  	s17 =	sshll.u32 s0, $0xA;
	s2 =	sadd.s32 s3, s2  }
0x8d: {  	s2 =	sadd.s32 s2, s17  }
0x8e: {  	[smem:$0x3FC1] =	sst s2  }
0x8f: {  	_ = 	snop  }
0x90: {  	s18 =	sld [smem:$0x3FC7];
	(tm) =	ssettm $0x1  }
0x91: {  	s19 =	sld [smem:$0x3FFB];
	_ =	sdelay $0x3  }
0x92: {  	_ =	strace s19  }
0x93: {  	s2 =	sld [smem:$0x3FFC];
	_ =	sdelay $0x3  }
0x94: {  	_ =	strace s2  }
0x95: {  	s2 =	sld [smem:$0x3FFD];
	_ =	sdelay $0x3  }
0x96: {  	_ =	strace s2  }
0x97: {  	_ =	strace $0x8FFFFFFF  }
0x98: {  	s20 =	sld [smem:$0x3FDB];
	_ =	sdelay $0x1  }
0x99: {  	s4 =	simm.s32 $_scs_section_size  }
0x9a: {  	s5 =	simm.s32 $_size__tile_overlayer_lowered;
	s6 =	simm.s32 $_tile_overlayer_lowered  }
0x9b: {  	s7 =	simm.s32 $0x1BFF;
	s21 =	sshll.u32 s6, $0x1;
	s4 =	sadd.s32 s4, s20  }
0x9c: {  	s22 =	simm.s32 $0x0;
	s5 =	sshll.u32 s5, $0x1;
	s6 =	sadd.s32 s21, s4  }
0x9d: {  	[timem:s22], [sflag:s7] =	dma.local [hbm:s6], s5  }
0x9e: {  	_ =	swait.ge [sflag:s7], s5  }
0x9f: {  	s5 =	ssub.s32 $0x0, s5;
	[sflag:s7] =	ssyncset.done $0x0  }
0xa0: {  	[sflag:s7] =	ssyncadd.s32 s5;
	_ =	sdelay $0x1  }
0xa1: {  	s23 =	simm.s32 $0x1B8B  }
0xa2: {  	_ =	swait.ge [sflag:s23], $0x1  }
0xa3: {  	[sflag:s23] =	ssyncset.done $0x0  }
0xa4: {  	[sflag:s23] =	ssyncadd.s32 $0xFFFFFFFF  }
0xa5: {  	s5 =	sld [smem:$0x0]  }
0xa6: {  	s6 =	sand.u32 $0xFFFFFFFE, s1  }
0xa7: {  	p0 =	sne.s32 s1, s6  }
0xa8: {  	s6 =	sshll.u32 @p0 s6, $0xE  }
0xa9: {  	s6 =	sadd.s32 @p0 $0x11B8D, s6;
	s7 =	sshll.u32 @p0 s5, $0x11  }
0xaa: {  	s6 =	sor.u32 @p0 s7, s6  }
0xab: {  	[sflag:s6] =	ssyncadd.remote.s32 @p0 $0x1;
	_ =	sdelay $0x1  }
0xac: {  	s6 =	simm.s32 @p0 $0x1B8D  }
0xad: {  	_ =	swait.eq @p0 [sflag:s6], $0x1  }
0xae: {  	[sflag:s6] =	ssyncadd.s32 @p0 $0xFFFFFFFF  }
0xaf: {  	s7 =	sshll.u32 @!p0 s1, $0xE  }
0xb0: {  	s7 =	sor.u32 @!p0 $0x4000, s7;
	s6 =	simm.s32 @!p0 $0x1B8D  }
0xb1: {  	s5 =	sshll.u32 @!p0 s5, $0x11;
	s7 =	sadd.s32 @!p0 $0x11B8D, s7;
	_ =	swait.eq @!p0 [sflag:s6], $0x1  }
0xb2: {  	s5 =	sor.u32 @!p0 s5, s7;
	[sflag:s6] =	ssyncadd.s32 @!p0 $0xFFFFFFFF  }
0xb3: {  	s25 =	simm.s32 $0x1B8E;
	s24 =	sld [smem:$0x3FFE];
	[sflag:s5] =	ssyncadd.remote.s32 @!p0 $0x1  }
0xb4: {  	s26 =	simm.s32 $execute0_lowered;
	[smem:$0x3FD2] =	sst s25  }
0xb5: {  	s6 =	sshll.u32 s26, $0x1;
	_ =	strace $0x80000049;
	[dreg:$0x1] =	wrdreg $0xFFFFFFFF  }
0xb6: {  	s28 =	simm.s32 $_size_execute0_lowered;
	s4 =	sadd.s32 s4, s6;
	[dreg:$0x0] =	wrdreg $0x0  }
0xb7: {  	s6 =	sshll.u32 s28, $0x1;
	[dreg:$0x2] =	wrdreg s4  }
0xb8: {  	[dreg:$0x3] =	wrdreg s6  }
0xb9: {  	[dreg:$0x4] =	wrdreg $0xC0  }
0xba: {  	_ =	task [dreg:s22], $0x5FFFF  }
0xbb: {  	[dreg:$0x1] =	wrdreg $0xFFFFFFFF  }
0xbc: {  	[dreg:$0x0] =	wrdreg $0x60  }
0xbd: {  	[dreg:$0x2] =	wrdreg s24  }
0xbe: {  	[dreg:$0x3] =	wrdreg s18  }
0xbf: {  	[dreg:$0x4] =	wrdreg $0xB  }
0xc0: {  	_ =	task.clear_ibuf [dreg:s22], $0x5FFFF;
	_ =	strace $0x90000049  }
0xc1: {  	s29 =	simm.s32 $0xB;
	_ =	strace $0x8000004B  }
0xc2: {  	_ =	swait.ge [sflag:s29], $0x1  }
0xc3: {  	[sflag:s29] =	ssyncadd.s32 $0xFFFFFFFF  }
0xc4: {  	_ =	strace $0x9000004B  }
0xc5: {  	_ =	sfence  }
0xc6: {  	s30 =	sld [smem:$0x0];
	_ =	sdelay $0x2  }
0xc7: {  	s31 =	sshll.u32 s1, $0xD;
	s1 =	sshrl.u32 s1, $0x2  }
0xc8: {  	s4 =	sand.u32 $0x4000, s31;
	s1 =	sadd.s32 s1, s30  }
0xc9: {  	s0 =	sor.u32 s4, s0;
	s1 =	sshll.u32 s1, $0x11  }
0xca: {  	s0 =	sor.u32 s1, s0  }
0xcb: {  	s0 =	sadd.s32 $0x8F2B, s0  }
0xcc: {  	[sflag:s0] =	ssyncadd.remote.s32 $0x1  }
0xcd: {  	_ =	sfence.sel $0xFFFF  }
0xce: {  	[dreg:$0x0] =	wrdreg $0xFFFFFFFF;
	(pc) =	sbr.abs _section_cstart, $3  }
0xcf: {  	[dreg:$0x1] =	wrdreg $0xFFFFFFFF  }
0xd0: {  	_ =	task.clear_ibuf [dreg:s22], $0x2FFFF;
	_ =	strace $0x9FFFFFFF  }
0xd1: {  	(tm) =	ssettm $0x7FFFFFFF  }
tec
execute0_lowered:
.L_overlay_start_1:
0x0: {  	(tag) =	ssettag $0x1  }
0x1: {  	s1 =	srdreg.scid;
	s4 =	rddreg [dreg:$0x0]  }
0x2: {  	s0 =	stileid.u32;
	s2 =	rddreg [dreg:$0x1];
	s3 =	simm.s32 $0x0  }
0x3: {  	s12 =	simm.s32 $0x28;
	s13 =	simm.s32 $0x680;
	s14 =	simm.s32 $0x1A80  }
0x4: {  	s15 =	simm.s32 $0x1;
	s16 =	simm.s32 $0x3;
	s17 =	simm.s32 $0x50  }
0x5: {  	s18 =	simm.s32 $0x2;
	s19 =	simm.s32 $0x4;
	s20 =	simm.s32 $0x618  }
0x6: {  	s21 =	simm.s32 $0x0;
	s6 =	sand.u32 $0x1, s1;
	s30 =	sshll.u32 s0, $0x1  }
0x7: {  	s1 =	rddreg [dreg:$0x2];
	s31 =	smul.u32 $0xC800, s0;
	s5 =	sor.u32 s6, s30  }
0x8: {  	[smem:$0x7FF] =	sst s3;
	s8 =	ssub.s32 $0x2, s6;
	s7 =	smul.u32 $0x640, s5  }
0x9: {  	s10 =	sadd.s32 $0xCF000, s4;
	s9 =	sshrl.u32 s8, $0x1;
	s5 =	smul.u32 $0x6400, s5  }
0xa: {  	_ =	strace $0x8000004A;
	s11 =	smul.u32 $0x6400, s6;
	s8 =	ssub.s32 s8, s9  }
0xb: {  	s7 =	sshrl.u32 s7, $0x3;
	s5 =	sadd.s32 s10, s5;
	s6 =	smax.u32 s8, $0x1  }
0xc: {  	s10 =	sadd.s32 s31, s10;
	s7 =	sadd.s32 s7, s4;
	s8 =	sadd.s32 $0x5F00, s5  }
0xd: {  	s9 =	sadd.s32 $0x6180, s5;
	s10 =	sadd.s32 s11, s10;
	s11 =	simm.s32 $0x5  }
0xe: {  	s4 =	sadd.s32 $0x3C00, s7;
	s7 =	sadd.s32 $0x280, s5;
	s10 =	sadd.s32 $0x500, s10  }
.LBB2_1:
0xf: {  	[tilespmem:s3], [sflag:$0x5] =	stream.linear.gather [hbm4b:s4+s3], $0x640, $0x38;
	[tilespmem:$0x2E80] =	vst v63  }
0x10: {  	_ =	swait.ge [sflag:s11], $0x640  }
0x11: {  	[sflag:s11] =	ssyncset.done $0x0  }
0x12: {  	[sflag:s11] =	ssyncadd.s32 $0xFFFFF9C0  }
0x13: {  	[tilespmem:s13], [sflag:$0x1] =	stream.indirect.gather [hbm4b:s2+s12], $0x80, s3, s12, $0xb8;
	[tilespmem:$0x2E80] =	vst v63  }
0x14: {  	_ = 	snop  }
0x15: {  	[tilespmem:s14], [sflag:$0x2] =	stream.indirect.gather [hbm4b:s2+s12], $0x80, s12, s12, $0xb8;
	[tilespmem:$0x2E80] =	vst v63  }
0x16: {  	_ =	swait.ge [sflag:s15], $0x1400  }
0x17: {  	[sflag:s15] =	ssyncset.done $0x0  }
0x18: {  	[sflag:s15] =	ssyncadd.s32 $0xFFFFEC00  }
0x19: {  	[hbm4b:s5+s3] =	stream.linear.scatter [tilespmem:s13], [sflag:$0x3], $0x1400, $0x38;
	[tilespmem:$0x2E80] =	vst v63  }
0x1a: {  	_ =	swait.ge [sflag:s16], $0x1400  }
0x1b: {  	[sflag:s16] =	ssyncset.done $0x0  }
0x1c: {  	[sflag:s16] =	ssyncadd.s32 $0xFFFFEC00  }
0x1d: {  	[tilespmem:s13], [sflag:$0x1] =	stream.indirect.gather [hbm4b:s2+s12], $0x80, s17, s12, $0xb8;
	[tilespmem:$0x2E80] =	vst v63  }
0x1e: {  	_ =	swait.ge [sflag:s18], $0x1400  }
0x1f: {  	[sflag:s18] =	ssyncset.done $0x0  }
0x20: {  	[sflag:s18] =	ssyncadd.s32 $0xFFFFEC00  }
0x21: {  	[hbm4b:s7+s3] =	stream.linear.scatter [tilespmem:s14], [sflag:$0x4], $0x1400, $0x38;
	[tilespmem:$0x2E80] =	vst v63  }
0x22: {  	_ =	swait.ge [sflag:s19], $0x1400  }
0x23: {  	[sflag:s19] =	ssyncset.done $0x0  }
0x24: {  	s22 =	simm.s32 $0x78;
	[sflag:s19] =	ssyncadd.s32 $0xFFFFEC00  }
0x25: {  	[tilespmem:s14], [sflag:$0x2] =	stream.indirect.gather [hbm4b:s2+s12], $0x80, s22, s12, $0xb8;
	[tilespmem:$0x2E80] =	vst v63  }
0x26: {  	_ =	swait.ge [sflag:s15], $0x1400  }
0x27: {  	[sflag:s15] =	ssyncset.done $0x0  }
0x28: {  	[sflag:s15] =	ssyncadd.s32 $0xFFFFEC00  }
0x29: {  	[hbm4b:s10+s3] =	stream.linear.scatter [tilespmem:s13], [sflag:$0x3], $0x1400, $0x38;
	[tilespmem:$0x2E80] =	vst v63  }
0x2a: {  	_ =	swait.ge [sflag:s16], $0x1400  }
0x2b: {  	[sflag:s16] =	ssyncset.done $0x0  }
0x2c: {  	s31 =	simm.s32 $0xA0;
	[sflag:s16] =	ssyncadd.s32 $0xFFFFEC00  }
0x2d: {  	[tilespmem:s13], [sflag:$0x1] =	stream.indirect.gather [hbm4b:s2+s12], $0x80, s31, s12, $0xb8;
	[tilespmem:$0x2E80] =	vst v63  }
0x2e: {  	_ =	swait.ge [sflag:s18], $0x1400  }
0x2f: {  	s24 =	sadd.s32 $0x280, s10;
	[sflag:s18] =	ssyncset.done $0x0  }
0x30: {  	s23 =	sadd.s32 $0x500, s10;
	s22 =	simm.s32 $0x140;
	[sflag:s18] =	ssyncadd.s32 $0xFFFFEC00  }
.LBB2_2:
0x31: {  	[hbm4b:s24+s3] =	stream.linear.scatter [tilespmem:s14], [sflag:$0x4], $0x1400, $0x38;
	[tilespmem:$0x2E80] =	vst v63  }
0x32: {  	s24 =	smov.u32 s22  }
0x33: {  	p0 =	sne.s32 s22, $0x1540;
	s22 =	sadd.s32 $0x140, s22;
	_ =	swait.ge [sflag:s19], $0x1400  }
0x34: {  	s24 =	sshra.s32 s24, $0x2;
	[sflag:s19] =	ssyncset.done $0x0  }
0x35: {  	s25 =	sadd.s32 $0x78, s24;
	[sflag:s19] =	ssyncadd.s32 $0xFFFFEC00  }
0x36: {  	[tilespmem:s14], [sflag:$0x2] =	stream.indirect.gather [hbm4b:s2+s12], $0x80, s25, s12, $0xb8;
	[tilespmem:$0x2E80] =	vst v63  }
0x37: {  	_ =	swait.ge [sflag:s15], $0x1400  }
0x38: {  	[sflag:s15] =	ssyncset.done $0x0  }
0x39: {  	[sflag:s15] =	ssyncadd.s32 $0xFFFFEC00  }
0x3a: {  	[hbm4b:s23+s3] =	stream.linear.scatter [tilespmem:s13], [sflag:$0x3], $0x1400, $0x38;
	[tilespmem:$0x2E80] =	vst v63  }
0x3b: {  	_ =	swait.ge [sflag:s16], $0x1400  }
0x3c: {  	[sflag:s16] =	ssyncset.done $0x0  }
.Ltmp0:
0x3d: {  	s24 =	sadd.s32 $0xA0, s24;
	[sflag:s16] =	ssyncadd.s32 $0xFFFFEC00;
	(pc) =	sbr.rel @p0 .LBB2_2-.Ltmp0, $4  }
0x3e: {  	[tilespmem:s13], [sflag:$0x1] =	stream.indirect.gather [hbm4b:s2+s12], $0x80, s24, s12, $0xb8;
	[tilespmem:$0x2E80] =	vst v63  }
0x3f: {  	_ =	swait.ge [sflag:s18], $0x1400  }
0x40: {  	[sflag:s18] =	ssyncset.done $0x0  }
0x41: {  	s24 =	sadd.s32 $0x280, s23;
	s23 =	sadd.s32 $0x500, s23;
	[sflag:s18] =	ssyncadd.s32 $0xFFFFEC00  }
0x42: {  	[hbm4b:s24+s3] =	stream.linear.scatter [tilespmem:s14], [sflag:$0x4], $0x1400, $0x38;
	[tilespmem:$0x2E80] =	vst v63  }
0x43: {  	_ =	swait.ge [sflag:s19], $0x1400  }
0x44: {  	[sflag:s19] =	ssyncset.done $0x0  }
0x45: {  	[sflag:s19] =	ssyncadd.s32 $0xFFFFEC00  }
0x46: {  	[tilespmem:s14], [sflag:$0x2] =	stream.indirect.gather [hbm4b:s2+s12], $0x80, s20, s12, $0xb8;
	[tilespmem:$0x2E80] =	vst v63  }
0x47: {  	_ =	swait.ge [sflag:s15], $0x1400  }
0x48: {  	[sflag:s15] =	ssyncset.done $0x0  }
0x49: {  	[sflag:s15] =	ssyncadd.s32 $0xFFFFEC00  }
0x4a: {  	[hbm4b:s8+s3] =	stream.linear.scatter [tilespmem:s13], [sflag:$0x3], $0x1400, $0x38;
	[tilespmem:$0x2E80] =	vst v63  }
0x4b: {  	_ =	swait.ge [sflag:s18], $0x1400  }
0x4c: {  	[sflag:s18] =	ssyncset.done $0x0  }
0x4d: {  	s21 =	sadd.s32 $0x1, s21;
	[sflag:s18] =	ssyncadd.s32 $0xFFFFEC00  }
0x4e: {  	[hbm4b:s9+s3] =	stream.linear.scatter [tilespmem:s14], [sflag:$0x4], $0x1400, $0x38;
	[tilespmem:$0x2E80] =	vst v63  }
0x4f: {  	p0 =	sne.s32 s21, s6;
	_ =	swait.ge [sflag:s16], $0x1400  }
.Ltmp1:
0x50: {  	[sflag:s16] =	ssyncset.done $0x0;
	(pc) =	sbr.rel @p0 .LBB2_1-.Ltmp1, $4  }
0x51: {  	[sflag:s16] =	ssyncadd.s32 $0xFFFFEC00  }
0x52: {  	_ =	swait.ge [sflag:s19], $0x1400  }
0x53: {  	[sflag:s19] =	ssyncset.done $0x0  }
0x54: {  	[sflag:s19] =	ssyncadd.s32 $0xFFFFEC00  }
0x55: {  	_ =	sfence.sel $0x180000  }
0x56: {  	[bflag:$0x0] =	sbarrier.arrive $0xFFFF  }
0x57: {  	p0 =	sne.s32 s0, $0x0;
	_ =	strace $0x9000004A  }
0x58: {  	s0 =	sadd.s32 @!p0 $0x100000, s1;
	[bflag:$0x2] =	sbarrier.arrive $0xFFFF  }
0x59: {  	[sflag:s0] =	ssyncadd.tile.s32 @!p0 $0x1;
	_ =	shalt  }
.Lfunc_end2:
_tile_overlayer_lowered:
.L_overlay_start_2:
0x5a: {  	(tag) =	ssettag $0x2  }
0x5b: {  	s0 =	rddreg [dreg:$0x0];
	s2 =	stileid.u32  }
0x5c: {  	s1 =	rddreg [dreg:$0x1];
	p0 =	sne.s32 s2, $0x0  }
0x5d: {  	s3 =	rddreg [dreg:$0x2];
	[bflag:$0x3] =	sbarrier.arrive $0xFFFF;
	s2 =	simm.s32 @!p0 $0x1C05  }
0x5e: {  	[timem:s3], [sflag:s2] =	dma.local @!p0 [hbm:s0], s1  }
0x5f: {  	s0 =	simm.s32 @!p0 $0x5  }
0x60: {  	_ =	swait.ge @!p0 [sflag:s0], s1  }
0x61: {  	s1 =	ssub.s32 @!p0 $0x0, s1;
	[sflag:s0] =	ssyncset.done @!p0 $0x0  }
0x62: {  	[sflag:s0] =	ssyncadd.s32 @!p0 s1  }
0x63: {  	[bflag:$0x3] =	sbarrier.arrive $0xFFFF  }
0x64: {  	_ =	shalt  }

// kernel: _embed.19.cloned.1.call-start
scs
__scs_entry_jumppad:
0x0: {  	(pc) =	sbr.rel $0x88, $3  }
0x1: {  	(tag) =	ssettag $0x0;
	lr =	simm.s32 $0x1  }
0x2: {  	[smem:$0x3F9A] =	sst lr;
	_ =	strace $0xD0000000  }
0x3: {  	_ = 	snop  }
0x4: {  	_ = 	snop  }
0x5: {  	_ = 	snop  }
0x6: {  	_ = 	snop  }
0x7: {  	_ = 	snop  }
__scs_overlays_trampoline_lowered:
0x8: {  	[smem:$0x3FA9] =	sst s0  }
0x9: {  	[smem:$0x3FAA] =	sst s1  }
0xa: {  	[smem:$0x3FAB] =	sst s2  }
0xb: {  	[smem:$0x3FAC] =	sst s3  }
0xc: {  	[smem:$0x3FAD] =	sst s4  }
0xd: {  	[smem:$0x3FAE] =	sst s5  }
0xe: {  	[smem:$0x3FAF] =	sst s6  }
0xf: {  	[smem:$0x3FB0] =	sst s7  }
0x10: {  	[smem:$0x3FB1] =	sst s8  }
0x11: {  	[smem:$0x3FB2] =	sst s9;
	s0 =	simm.s32 @!p0 $0x0  }
0x12: {  	s1 =	sld [smem:$0x3F98];
	s0 =	simm.s32 @p0 $0x1  }
0x13: {  	[smem:$0x3FB3] =	sst s0;
	s0 =	simm.s32 @!p1 $0x0  }
0x14: {  	s2 =	sld [smem:$0x3F97];
	s0 =	simm.s32 @p1 $0x1  }
0x15: {  	[smem:$0x3FB4] =	sst s0;
	s0 =	simm.s32 @!p2 $0x0  }
0x16: {  	s3 =	sld [smem:$0x3FDB];
	s0 =	simm.s32 @p2 $0x1  }
0x17: {  	s4 =	simm.s32 $0x1BF5;
	[smem:$0x3FB6] =	sst s0  }
0x18: {  	s0 =	sld [smem:$0x3F99];
	_ =	swait.ge [sflag:s4], $0x0  }
0x19: {  	s7 =	sld [smem:$0x3F9A]  }
0x1a: {  	s8 =	sadd.s32 $0xFFFFE003, lr  }
0x1b: {  	s9 =	sadd.s32 $0xFFFFFEF7, lr;
	s5 =	simm.s32 $0xFFFFFFFF;
	p2 =	slt.u32 s8, $0xFFFFF086  }
0x1c: {  	p1 =	slt.u32 s9, $0xF7A;
	s5 =	simm.s32 @!p2 $0x0  }
0x1d: {  	s5 =	simm.s32 @p1 $0x1;
	p0 =	seq.s32 s7, s2  }
0x1e: {  	s7 =	smul.u32 @!p0 $0xF7A, s2;
	p2 =	seq.s32 @!p0 s5, $0x0  }
0x1f: {  	s9 =	smul.u32 $0xF7A, s1;
	s8 =	simm.s32 @!p0 $0x1BF5;
	p2 =	por !p2, p0  }
0x20: {  	[sflag:s8] =	ssyncset.s32 @!p0 $0xFFFFF086;
	s6 =	sadd.s32 @!p0 s3, s7;
	s7 =	simm.s32 @!p0 $0x108  }
0x21: {  	s3 =	sadd.s32 s3, s9;
	s6 =	sadd.s32 @!p0 $0x88, s6;
	s7 =	simm.s32 @p2 $0x1082  }
0x22: {  	[simem:s7], [sflag:s8] =	dma.local @!p0 [hbm:s6], $0xF7A  }
0x23: {  	s9 =	sor.u32 $0xD0000000, s2;
	s6 =	simm.s32 $0x108;
	_ =	swait.ge @!p0 [sflag:s8], $0x0  }
0x24: {  	s3 =	sadd.s32 $0x88, s3;
	s6 =	simm.s32 @!p1 $0x1082;
	[sflag:s4] =	ssyncset.s32 $0xFFFFF086  }
0x25: {  	[simem:s6], [sflag:s4] =	dma.local [hbm:s3], $0xF7A  }
0x26: {  	[smem:$0x3F9A] =	sst s1;
	(tag) =	ssettag s2;
	_ =	strace s9  }
0x27: {  	s1 =	sld [smem:$0x3FAA]  }
0x28: {  	s2 =	sld [smem:$0x3FAB]  }
0x29: {  	s4 =	sld [smem:$0x3FAD]  }
0x2a: {  	p0 =	seq.s32 s5, $0x0;
	s5 =	sld [smem:$0x3FAE]  }
0x2b: {  	s6 =	sld [smem:$0x3FAF]  }
0x2c: {  	s7 =	sld [smem:$0x3FB0]  }
0x2d: {  	s3 =	simm.s32 $0x108;
	s8 =	sld [smem:$0x3FB1]  }
0x2e: {  	s3 =	simm.s32 @!p0 $0x1082;
	s9 =	sld [smem:$0x3FB2]  }
0x2f: {  	lr =	sadd.s32 s0, s3;
	s0 =	sld [smem:$0x3FA9]  }
0x30: {  	s3 =	sld [smem:$0x3FAC]  }
0x31: {  	[smem:$0x3FB5] =	sst s10  }
0x32: {  	s10 =	sld [smem:$0x3FB3];
	_ =	sdelay $0x3  }
0x33: {  	p0 =	seq.s32 s10, $0x1;
	s10 =	sld [smem:$0x3FB5];
	_ =	sdelay $0x3  }
0x34: {  	[smem:$0x3FB5] =	sst s10  }
0x35: {  	s10 =	sld [smem:$0x3FB4];
	_ =	sdelay $0x3  }
0x36: {  	p1 =	seq.s32 s10, $0x1;
	s10 =	sld [smem:$0x3FB5];
	_ =	sdelay $0x3  }
0x37: {  	[smem:$0x3FB5] =	sst s10  }
0x38: {  	s10 =	sld [smem:$0x3FB6]  }
0x39: {  	_ = 	snop;
	(pc) =	sbr.ind lr, $3  }
0x3a: {  	_ = 	snop  }
0x3b: {  	_ = 	snop  }
0x3c: {  	p2 =	seq.s32 s10, $0x1;
	s10 =	sld [smem:$0x3FB5]  }
0x3d: {  	_ =	shalt  }
0x3e: {  	_ =	shalt  }
0x3f: {  	_ =	shalt  }
0x40: {  	_ =	shalt  }
0x41: {  	_ =	shalt  }
0x42: {  	_ =	shalt  }
0x43: {  	_ =	shalt  }
0x44: {  	_ =	shalt  }
0x45: {  	_ =	shalt  }
0x46: {  	_ =	shalt  }
0x47: {  	_ =	shalt  }
0x48: {  	_ =	shalt  }
0x49: {  	_ =	shalt  }
0x4a: {  	_ =	shalt  }
0x4b: {  	_ =	shalt  }
0x4c: {  	_ =	shalt  }
0x4d: {  	_ =	shalt  }
0x4e: {  	_ =	shalt  }
0x4f: {  	_ =	shalt  }
0x50: {  	_ =	shalt  }
0x51: {  	_ =	shalt  }
0x52: {  	_ =	shalt  }
0x53: {  	_ =	shalt  }
0x54: {  	_ =	shalt  }
0x55: {  	_ =	shalt  }
0x56: {  	_ =	shalt  }
0x57: {  	_ =	shalt  }
0x58: {  	_ =	shalt  }
0x59: {  	_ =	shalt  }
0x5a: {  	_ =	shalt  }
0x5b: {  	_ =	shalt  }
0x5c: {  	_ =	shalt  }
0x5d: {  	_ =	shalt  }
0x5e: {  	_ =	shalt  }
0x5f: {  	_ =	shalt  }
0x60: {  	_ =	shalt  }
0x61: {  	_ =	shalt  }
0x62: {  	_ =	shalt  }
0x63: {  	_ =	shalt  }
0x64: {  	_ =	shalt  }
0x65: {  	_ =	shalt  }
0x66: {  	_ =	shalt  }
0x67: {  	_ =	shalt  }
0x68: {  	_ =	shalt  }
0x69: {  	_ =	shalt  }
0x6a: {  	_ =	shalt  }
0x6b: {  	_ =	shalt  }
0x6c: {  	_ =	shalt  }
0x6d: {  	_ =	shalt  }
0x6e: {  	_ =	shalt  }
0x6f: {  	_ =	shalt  }
0x70: {  	_ =	shalt  }
0x71: {  	_ =	shalt  }
0x72: {  	_ =	shalt  }
0x73: {  	_ =	shalt  }
0x74: {  	_ =	shalt  }
0x75: {  	_ =	shalt  }
0x76: {  	_ =	shalt  }
0x77: {  	_ =	shalt  }
0x78: {  	_ =	shalt  }
0x79: {  	_ =	shalt  }
0x7a: {  	_ =	shalt  }
0x7b: {  	_ =	shalt  }
0x7c: {  	_ =	shalt  }
0x7d: {  	_ =	shalt  }
0x7e: {  	_ =	shalt  }
0x7f: {  	_ =	shalt  }
0x80: {  	_ =	shalt  }
0x81: {  	_ =	shalt  }
0x82: {  	_ =	shalt  }
0x83: {  	_ =	shalt  }
0x84: {  	_ =	shalt  }
0x85: {  	_ =	shalt  }
0x86: {  	_ =	shalt  }
0x87: {  	_ =	shalt  }
.Lfunc_end0:
.L_simem_size_0:
called_computation.3_lowered:
.L_overlay_start_0:
0x88: {  	s2 =	sld [smem:$0x3FD9]  }
0x89: {  	s3 =	sld [smem:$0x3FFE];
	_ =	sdelay $0x1  }
0x8a: {  	s1 =	srdreg.scid  }
0x8b: {  	s0 =	sand.u32 $0x1, s1  }
0x8c: {  	s17 =	sshll.u32 s0, $0xA;
	s2 =	sadd.s32 s3, s2  }
0x8d: {  	s2 =	sadd.s32 s2, s17  }
0x8e: {  	[smem:$0x3FC1] =	sst s2  }
0x8f: {  	_ = 	snop  }
0x90: {  	s18 =	sld [smem:$0x3FC7];
	(tm) =	ssettm $0x1  }
0x91: {  	s19 =	sld [smem:$0x3FFB];
	_ =	sdelay $0x3  }
0x92: {  	_ =	strace s19  }
0x93: {  	s2 =	sld [smem:$0x3FFC];
	_ =	sdelay $0x3  }
0x94: {  	_ =	strace s2  }
0x95: {  	s2 =	sld [smem:$0x3FFD];
	_ =	sdelay $0x3  }
0x96: {  	_ =	strace s2  }
0x97: {  	_ =	strace $0x8FFFFFFF  }
0x98: {  	s20 =	sld [smem:$0x3FDB];
	_ =	sdelay $0x1  }
0x99: {  	s4 =	simm.s32 $_scs_section_size  }
0x9a: {  	s5 =	simm.s32 $_size__tile_overlayer_lowered;
	s6 =	simm.s32 $_tile_overlayer_lowered  }
0x9b: {  	s7 =	simm.s32 $0x1BFF;
	s21 =	sshll.u32 s6, $0x1;
	s4 =	sadd.s32 s4, s20  }
0x9c: {  	s22 =	simm.s32 $0x0;
	s5 =	sshll.u32 s5, $0x1;
	s6 =	sadd.s32 s21, s4  }
0x9d: {  	[timem:s22], [sflag:s7] =	dma.local [hbm:s6], s5  }
0x9e: {  	_ =	swait.ge [sflag:s7], s5  }
0x9f: {  	s5 =	ssub.s32 $0x0, s5;
	[sflag:s7] =	ssyncset.done $0x0  }
0xa0: {  	[sflag:s7] =	ssyncadd.s32 s5;
	_ =	sdelay $0x1  }
0xa1: {  	s23 =	simm.s32 $0x1B8B  }
0xa2: {  	_ =	swait.ge [sflag:s23], $0x1  }
0xa3: {  	[sflag:s23] =	ssyncset.done $0x0  }
0xa4: {  	[sflag:s23] =	ssyncadd.s32 $0xFFFFFFFF  }
0xa5: {  	s5 =	sld [smem:$0x0]  }
0xa6: {  	s6 =	sand.u32 $0xFFFFFFFE, s1  }
0xa7: {  	p0 =	sne.s32 s1, s6  }
0xa8: {  	s6 =	sshll.u32 @p0 s6, $0xE  }
0xa9: {  	s6 =	sadd.s32 @p0 $0x11B8D, s6;
	s7 =	sshll.u32 @p0 s5, $0x11  }
0xaa: {  	s6 =	sor.u32 @p0 s7, s6  }
0xab: {  	[sflag:s6] =	ssyncadd.remote.s32 @p0 $0x1;
	_ =	sdelay $0x1  }
0xac: {  	s6 =	simm.s32 @p0 $0x1B8D  }
0xad: {  	_ =	swait.eq @p0 [sflag:s6], $0x1  }
0xae: {  	[sflag:s6] =	ssyncadd.s32 @p0 $0xFFFFFFFF  }
0xaf: {  	s7 =	sshll.u32 @!p0 s1, $0xE  }
0xb0: {  	s7 =	sor.u32 @!p0 $0x4000, s7;
	s6 =	simm.s32 @!p0 $0x1B8D  }
0xb1: {  	s5 =	sshll.u32 @!p0 s5, $0x11;
	s7 =	sadd.s32 @!p0 $0x11B8D, s7;
	_ =	swait.eq @!p0 [sflag:s6], $0x1  }
0xb2: {  	s5 =	sor.u32 @!p0 s5, s7;
	[sflag:s6] =	ssyncadd.s32 @!p0 $0xFFFFFFFF  }
0xb3: {  	s25 =	simm.s32 $0x1B8E;
	s24 =	sld [smem:$0x3FFE];
	[sflag:s5] =	ssyncadd.remote.s32 @!p0 $0x1  }
0xb4: {  	s26 =	simm.s32 $execute0_lowered;
	[smem:$0x3FD2] =	sst s25  }
0xb5: {  	s6 =	sshll.u32 s26, $0x1;
	_ =	strace $0x8000004C;
	[dreg:$0x1] =	wrdreg $0xFFFFFFFF  }
0xb6: {  	s28 =	simm.s32 $_size_execute0_lowered;
	s4 =	sadd.s32 s4, s6;
	[dreg:$0x0] =	wrdreg $0x0  }
0xb7: {  	s6 =	sshll.u32 s28, $0x1;
	[dreg:$0x2] =	wrdreg s4  }
0xb8: {  	[dreg:$0x3] =	wrdreg s6  }
0xb9: {  	[dreg:$0x4] =	wrdreg $0xC0  }
0xba: {  	_ =	task [dreg:s22], $0x5FFFF  }
0xbb: {  	[dreg:$0x1] =	wrdreg $0xFFFFFFFF  }
0xbc: {  	[dreg:$0x0] =	wrdreg $0x60  }
0xbd: {  	[dreg:$0x2] =	wrdreg s24  }
0xbe: {  	[dreg:$0x3] =	wrdreg s18  }
0xbf: {  	[dreg:$0x4] =	wrdreg $0xC  }
0xc0: {  	_ =	task.clear_ibuf [dreg:s22], $0x5FFFF;
	_ =	strace $0x9000004C  }
0xc1: {  	s29 =	simm.s32 $0xC;
	_ =	strace $0x8000004E  }
0xc2: {  	_ =	swait.ge [sflag:s29], $0x1  }
0xc3: {  	[sflag:s29] =	ssyncadd.s32 $0xFFFFFFFF  }
0xc4: {  	_ =	strace $0x9000004E  }
0xc5: {  	_ =	sfence  }
0xc6: {  	s30 =	sld [smem:$0x0];
	_ =	sdelay $0x2  }
0xc7: {  	s31 =	sshll.u32 s1, $0xD;
	s1 =	sshrl.u32 s1, $0x2  }
0xc8: {  	s4 =	sand.u32 $0x4000, s31;
	s1 =	sadd.s32 s1, s30  }
0xc9: {  	s0 =	sor.u32 s4, s0;
	s1 =	sshll.u32 s1, $0x11  }
0xca: {  	s0 =	sor.u32 s1, s0  }
0xcb: {  	s0 =	sadd.s32 $0x8F2B, s0  }
0xcc: {  	[sflag:s0] =	ssyncadd.remote.s32 $0x1  }
0xcd: {  	_ =	sfence.sel $0xFFFF  }
0xce: {  	[dreg:$0x0] =	wrdreg $0xFFFFFFFF;
	(pc) =	sbr.abs _section_cstart, $3  }
0xcf: {  	[dreg:$0x1] =	wrdreg $0xFFFFFFFF  }
0xd0: {  	_ =	task.clear_ibuf [dreg:s22], $0x2FFFF;
	_ =	strace $0x9FFFFFFF  }
0xd1: {  	(tm) =	ssettm $0x7FFFFFFF  }
tec
execute0_lowered:
.L_overlay_start_1:
0x0: {  	(tag) =	ssettag $0x1  }
0x1: {  	s1 =	srdreg.scid;
	s4 =	rddreg [dreg:$0x0]  }
0x2: {  	s0 =	stileid.u32;
	s2 =	rddreg [dreg:$0x1];
	s3 =	simm.s32 $0x0  }
0x3: {  	s12 =	simm.s32 $0x28;
	s13 =	simm.s32 $0x680;
	s14 =	simm.s32 $0x1A80  }
0x4: {  	s15 =	simm.s32 $0x1;
	s16 =	simm.s32 $0x3;
	s17 =	simm.s32 $0x50  }
0x5: {  	s18 =	simm.s32 $0x2;
	s19 =	simm.s32 $0x4;
	s20 =	simm.s32 $0x618  }
0x6: {  	s21 =	simm.s32 $0x0;
	s6 =	sand.u32 $0x1, s1;
	s30 =	sshll.u32 s0, $0x1  }
0x7: {  	s1 =	rddreg [dreg:$0x2];
	s31 =	smul.u32 $0xC800, s0;
	s5 =	sor.u32 s6, s30  }
0x8: {  	[smem:$0x7FF] =	sst s3;
	s8 =	ssub.s32 $0x2, s6;
	s7 =	smul.u32 $0x640, s5  }
0x9: {  	s10 =	sadd.s32 $0x197000, s4;
	s9 =	sshrl.u32 s8, $0x1;
	s5 =	smul.u32 $0x6400, s5  }
0xa: {  	_ =	strace $0x8000004D;
	s11 =	smul.u32 $0x6400, s6;
	s8 =	ssub.s32 s8, s9  }
0xb: {  	s7 =	sshrl.u32 s7, $0x3;
	s5 =	sadd.s32 s10, s5;
	s6 =	smax.u32 s8, $0x1  }
0xc: {  	s10 =	sadd.s32 s31, s10;
	s7 =	sadd.s32 s7, s4;
	s8 =	sadd.s32 $0x5F00, s5  }
0xd: {  	s9 =	sadd.s32 $0x6180, s5;
	s10 =	sadd.s32 s11, s10;
	s11 =	simm.s32 $0x5  }
0xe: {  	s4 =	sadd.s32 $0x5600, s7;
	s7 =	sadd.s32 $0x280, s5;
	s10 =	sadd.s32 $0x500, s10  }
.LBB2_1:
0xf: {  	[tilespmem:s3], [sflag:$0x5] =	stream.linear.gather [hbm4b:s4+s3], $0x640, $0x38;
	[tilespmem:$0x2E80] =	vst v63  }
0x10: {  	_ =	swait.ge [sflag:s11], $0x640  }
0x11: {  	[sflag:s11] =	ssyncset.done $0x0  }
0x12: {  	[sflag:s11] =	ssyncadd.s32 $0xFFFFF9C0  }
0x13: {  	[tilespmem:s13], [sflag:$0x1] =	stream.indirect.gather [hbm4b:s2+s12], $0x80, s3, s12, $0xb8;
	[tilespmem:$0x2E80] =	vst v63  }
0x14: {  	_ = 	snop  }
0x15: {  	[tilespmem:s14], [sflag:$0x2] =	stream.indirect.gather [hbm4b:s2+s12], $0x80, s12, s12, $0xb8;
	[tilespmem:$0x2E80] =	vst v63  }
0x16: {  	_ =	swait.ge [sflag:s15], $0x1400  }
0x17: {  	[sflag:s15] =	ssyncset.done $0x0  }
0x18: {  	[sflag:s15] =	ssyncadd.s32 $0xFFFFEC00  }
0x19: {  	[hbm4b:s5+s3] =	stream.linear.scatter [tilespmem:s13], [sflag:$0x3], $0x1400, $0x38;
	[tilespmem:$0x2E80] =	vst v63  }
0x1a: {  	_ =	swait.ge [sflag:s16], $0x1400  }
0x1b: {  	[sflag:s16] =	ssyncset.done $0x0  }
0x1c: {  	[sflag:s16] =	ssyncadd.s32 $0xFFFFEC00  }
0x1d: {  	[tilespmem:s13], [sflag:$0x1] =	stream.indirect.gather [hbm4b:s2+s12], $0x80, s17, s12, $0xb8;
	[tilespmem:$0x2E80] =	vst v63  }
0x1e: {  	_ =	swait.ge [sflag:s18], $0x1400  }
0x1f: {  	[sflag:s18] =	ssyncset.done $0x0  }
0x20: {  	[sflag:s18] =	ssyncadd.s32 $0xFFFFEC00  }
0x21: {  	[hbm4b:s7+s3] =	stream.linear.scatter [tilespmem:s14], [sflag:$0x4], $0x1400, $0x38;
	[tilespmem:$0x2E80] =	vst v63  }
0x22: {  	_ =	swait.ge [sflag:s19], $0x1400  }
0x23: {  	[sflag:s19] =	ssyncset.done $0x0  }
0x24: {  	s22 =	simm.s32 $0x78;
	[sflag:s19] =	ssyncadd.s32 $0xFFFFEC00  }
0x25: {  	[tilespmem:s14], [sflag:$0x2] =	stream.indirect.gather [hbm4b:s2+s12], $0x80, s22, s12, $0xb8;
	[tilespmem:$0x2E80] =	vst v63  }
0x26: {  	_ =	swait.ge [sflag:s15], $0x1400  }
0x27: {  	[sflag:s15] =	ssyncset.done $0x0  }
0x28: {  	[sflag:s15] =	ssyncadd.s32 $0xFFFFEC00  }
0x29: {  	[hbm4b:s10+s3] =	stream.linear.scatter [tilespmem:s13], [sflag:$0x3], $0x1400, $0x38;
	[tilespmem:$0x2E80] =	vst v63  }
0x2a: {  	_ =	swait.ge [sflag:s16], $0x1400  }
0x2b: {  	[sflag:s16] =	ssyncset.done $0x0  }
0x2c: {  	s31 =	simm.s32 $0xA0;
	[sflag:s16] =	ssyncadd.s32 $0xFFFFEC00  }
0x2d: {  	[tilespmem:s13], [sflag:$0x1] =	stream.indirect.gather [hbm4b:s2+s12], $0x80, s31, s12, $0xb8;
	[tilespmem:$0x2E80] =	vst v63  }
0x2e: {  	_ =	swait.ge [sflag:s18], $0x1400  }
0x2f: {  	s24 =	sadd.s32 $0x280, s10;
	[sflag:s18] =	ssyncset.done $0x0  }
0x30: {  	s23 =	sadd.s32 $0x500, s10;
	s22 =	simm.s32 $0x140;
	[sflag:s18] =	ssyncadd.s32 $0xFFFFEC00  }
.LBB2_2:
0x31: {  	[hbm4b:s24+s3] =	stream.linear.scatter [tilespmem:s14], [sflag:$0x4], $0x1400, $0x38;
	[tilespmem:$0x2E80] =	vst v63  }
0x32: {  	s24 =	smov.u32 s22  }
0x33: {  	p0 =	sne.s32 s22, $0x1540;
	s22 =	sadd.s32 $0x140, s22;
	_ =	swait.ge [sflag:s19], $0x1400  }
0x34: {  	s24 =	sshra.s32 s24, $0x2;
	[sflag:s19] =	ssyncset.done $0x0  }
0x35: {  	s25 =	sadd.s32 $0x78, s24;
	[sflag:s19] =	ssyncadd.s32 $0xFFFFEC00  }
0x36: {  	[tilespmem:s14], [sflag:$0x2] =	stream.indirect.gather [hbm4b:s2+s12], $0x80, s25, s12, $0xb8;
	[tilespmem:$0x2E80] =	vst v63  }
0x37: {  	_ =	swait.ge [sflag:s15], $0x1400  }
0x38: {  	[sflag:s15] =	ssyncset.done $0x0  }
0x39: {  	[sflag:s15] =	ssyncadd.s32 $0xFFFFEC00  }
0x3a: {  	[hbm4b:s23+s3] =	stream.linear.scatter [tilespmem:s13], [sflag:$0x3], $0x1400, $0x38;
	[tilespmem:$0x2E80] =	vst v63  }
0x3b: {  	_ =	swait.ge [sflag:s16], $0x1400  }
0x3c: {  	[sflag:s16] =	ssyncset.done $0x0  }
.Ltmp0:
0x3d: {  	s24 =	sadd.s32 $0xA0, s24;
	[sflag:s16] =	ssyncadd.s32 $0xFFFFEC00;
	(pc) =	sbr.rel @p0 .LBB2_2-.Ltmp0, $4  }
0x3e: {  	[tilespmem:s13], [sflag:$0x1] =	stream.indirect.gather [hbm4b:s2+s12], $0x80, s24, s12, $0xb8;
	[tilespmem:$0x2E80] =	vst v63  }
0x3f: {  	_ =	swait.ge [sflag:s18], $0x1400  }
0x40: {  	[sflag:s18] =	ssyncset.done $0x0  }
0x41: {  	s24 =	sadd.s32 $0x280, s23;
	s23 =	sadd.s32 $0x500, s23;
	[sflag:s18] =	ssyncadd.s32 $0xFFFFEC00  }
0x42: {  	[hbm4b:s24+s3] =	stream.linear.scatter [tilespmem:s14], [sflag:$0x4], $0x1400, $0x38;
	[tilespmem:$0x2E80] =	vst v63  }
0x43: {  	_ =	swait.ge [sflag:s19], $0x1400  }
0x44: {  	[sflag:s19] =	ssyncset.done $0x0  }
0x45: {  	[sflag:s19] =	ssyncadd.s32 $0xFFFFEC00  }
0x46: {  	[tilespmem:s14], [sflag:$0x2] =	stream.indirect.gather [hbm4b:s2+s12], $0x80, s20, s12, $0xb8;
	[tilespmem:$0x2E80] =	vst v63  }
0x47: {  	_ =	swait.ge [sflag:s15], $0x1400  }
0x48: {  	[sflag:s15] =	ssyncset.done $0x0  }
0x49: {  	[sflag:s15] =	ssyncadd.s32 $0xFFFFEC00  }
0x4a: {  	[hbm4b:s8+s3] =	stream.linear.scatter [tilespmem:s13], [sflag:$0x3], $0x1400, $0x38;
	[tilespmem:$0x2E80] =	vst v63  }
0x4b: {  	_ =	swait.ge [sflag:s18], $0x1400  }
0x4c: {  	[sflag:s18] =	ssyncset.done $0x0  }
0x4d: {  	s21 =	sadd.s32 $0x1, s21;
	[sflag:s18] =	ssyncadd.s32 $0xFFFFEC00  }
0x4e: {  	[hbm4b:s9+s3] =	stream.linear.scatter [tilespmem:s14], [sflag:$0x4], $0x1400, $0x38;
	[tilespmem:$0x2E80] =	vst v63  }
0x4f: {  	p0 =	sne.s32 s21, s6;
	_ =	swait.ge [sflag:s16], $0x1400  }
.Ltmp1:
0x50: {  	[sflag:s16] =	ssyncset.done $0x0;
	(pc) =	sbr.rel @p0 .LBB2_1-.Ltmp1, $4  }
0x51: {  	[sflag:s16] =	ssyncadd.s32 $0xFFFFEC00  }
0x52: {  	_ =	swait.ge [sflag:s19], $0x1400  }
0x53: {  	[sflag:s19] =	ssyncset.done $0x0  }
0x54: {  	[sflag:s19] =	ssyncadd.s32 $0xFFFFEC00  }
0x55: {  	_ =	sfence.sel $0x180000  }
0x56: {  	[bflag:$0x0] =	sbarrier.arrive $0xFFFF  }
0x57: {  	p0 =	sne.s32 s0, $0x0;
	_ =	strace $0x9000004D  }
0x58: {  	s0 =	sadd.s32 @!p0 $0x100000, s1;
	[bflag:$0x2] =	sbarrier.arrive $0xFFFF  }
0x59: {  	[sflag:s0] =	ssyncadd.tile.s32 @!p0 $0x1;
	_ =	shalt  }
.Lfunc_end2:
_tile_overlayer_lowered:
.L_overlay_start_2:
0x5a: {  	(tag) =	ssettag $0x2  }
0x5b: {  	s0 =	rddreg [dreg:$0x0];
	s2 =	stileid.u32  }
0x5c: {  	s1 =	rddreg [dreg:$0x1];
	p0 =	sne.s32 s2, $0x0  }
0x5d: {  	s3 =	rddreg [dreg:$0x2];
	[bflag:$0x3] =	sbarrier.arrive $0xFFFF;
	s2 =	simm.s32 @!p0 $0x1C05  }
0x5e: {  	[timem:s3], [sflag:s2] =	dma.local @!p0 [hbm:s0], s1  }
0x5f: {  	s0 =	simm.s32 @!p0 $0x5  }
0x60: {  	_ =	swait.ge @!p0 [sflag:s0], s1  }
0x61: {  	s1 =	ssub.s32 @!p0 $0x0, s1;
	[sflag:s0] =	ssyncset.done @!p0 $0x0  }
0x62: {  	[sflag:s0] =	ssyncadd.s32 @!p0 s1  }
0x63: {  	[bflag:$0x3] =	sbarrier.arrive $0xFFFF  }
0x64: {  	_ =	shalt  }

</sc_bundles>
